<compile_context>
chip_gen: v7x
topology: tpu7x:2x2x1
jax: 0.10.2.dev20260603
libtpu: 0.0.44.dev20260713+nightly
codegen_flags: <defaults>
</compile_context>

<pallas_src>
import functools

import jax
import jax.numpy as jnp
from jax import lax
from jax.experimental import pallas as pl
from jax.experimental.pallas import tpu as pltpu
from jax.experimental.pallas import tpu_sc as plsc

NC = 2
NS = 16
NW = NC * NS
CHUNK = 128
B_CH = 16
LANES = 16
D = 128


def _sc_mesh():
    return plsc.VectorSubcoreMesh(
        core_axis_name="c", subcore_axis_name="s", num_cores=NC, num_subcores=NS
    )


def _fill_rows(ref, value):
    vec = jnp.full((LANES,), value, jnp.float32)

    def body(i, carry):
        ref[i // (D // LANES), pl.ds((i % (D // LANES)) * LANES, LANES)] = vec
        return carry

    lax.fori_loop(0, CHUNK * (D // LANES), body, 0)


def _make_degree_kernel(n_pad, G):
    zr = n_pad // NS
    WINDOW = 4

    @functools.partial(
        pl.kernel,
        out_type=jax.ShapeDtypeStruct((NC, n_pad, D), jnp.float32),
        mesh=_sc_mesh(),
        scratch_types=[
            pltpu.VMEM((G, CHUNK), jnp.int32),
            pltpu.VMEM((CHUNK, D), jnp.float32),
            pltpu.VMEM_SHARED((n_pad, D), jnp.float32),
            pltpu.SemaphoreType.DMA,
            pltpu.SemaphoreType.DMA,
        ],
    )
    def deg_kernel(dst3, hist_out, idx_v, ones_v, hist_sh, semi, sems):
        c = lax.axis_index("c")
        s = lax.axis_index("s")
        w = c * NS + s
        pltpu.async_copy(dst3.at[w], idx_v, semi)
        _fill_rows(ones_v, 0.0)

        def zcp(k, carry):
            pltpu.sync_copy(ones_v, hist_sh.at[pl.ds(s * zr + k * CHUNK, CHUNK)])
            return carry

        lax.fori_loop(0, zr // CHUNK, zcp, 0)
        _fill_rows(ones_v, 1.0)
        pltpu.make_async_copy(dst3.at[w], idx_v, semi).wait()
        plsc.subcore_barrier()

        def body(g, carry):
            pltpu.async_copy(ones_v, hist_sh.at[idx_v.at[g]], sems, add=True)

            @pl.when(g >= WINDOW)
            def _():
                pltpu.make_async_copy(ones_v, hist_sh.at[idx_v.at[g]], sems).wait()

            return carry

        lax.fori_loop(0, G, body, 0)

        def drain(k, carry):
            pltpu.make_async_copy(ones_v, hist_sh.at[idx_v.at[0]], sems).wait()
            return carry

        lax.fori_loop(0, WINDOW, drain, 0)
        plsc.subcore_barrier()
        pltpu.sync_copy(hist_sh.at[pl.ds(s * zr, zr)],
                        hist_out.at[c, pl.ds(s * zr, zr)])

    return deg_kernel


def _make_agg_kernel(n_pad, G):
    zr = n_pad // NS
    NB = G // B_CH
    assert G % B_CH == 0

    @functools.partial(
        pl.kernel,
        out_type=jax.ShapeDtypeStruct((NC, n_pad, D), jnp.float32),
        mesh=_sc_mesh(),
        scratch_types=[
            pltpu.VMEM((B_CH, CHUNK), jnp.int32),
            pltpu.VMEM((B_CH, CHUNK), jnp.int32),
            pltpu.VMEM((CHUNK, D), jnp.float32),
            pltpu.VMEM((CHUNK, D), jnp.float32),
            pltpu.VMEM_SHARED((n_pad, D), jnp.float32),
            pltpu.SemaphoreType.DMA,
            pltpu.SemaphoreType.DMA,
            pltpu.SemaphoreType.DMA,
        ],
    )
    def agg_kernel(y_hbm, src3, dst3, out_hbm,
                   sidx_v, didx_v, rows0, rows1, acc_sh, semi, sem0, sem1):
        c = lax.axis_index("c")
        s = lax.axis_index("s")
        w = c * NS + s

        _fill_rows(rows0, 0.0)

        def zcp(k, carry):
            pltpu.sync_copy(rows0, acc_sh.at[pl.ds(s * zr + k * CHUNK, CHUNK)])
            return carry

        lax.fori_loop(0, zr // CHUNK, zcp, 0)
        plsc.subcore_barrier()

        def block(b, carry):
            base = b * B_CH
            pltpu.async_copy(src3.at[w, pl.ds(base, B_CH)], sidx_v, semi)
            pltpu.async_copy(dst3.at[w, pl.ds(base, B_CH)], didx_v, semi)
            pltpu.make_async_copy(src3.at[w, pl.ds(base, B_CH)], sidx_v, semi).wait()
            pltpu.make_async_copy(dst3.at[w, pl.ds(base, B_CH)], didx_v, semi).wait()
            pltpu.async_copy(y_hbm.at[sidx_v.at[0]], rows0, sem0)

            def pair(h, carry):
                j0 = h * 2
                pltpu.async_copy(y_hbm.at[sidx_v.at[j0 + 1]], rows1, sem1)
                pltpu.make_async_copy(y_hbm.at[sidx_v.at[j0]], rows0, sem0).wait()
                pltpu.sync_copy(rows0, acc_sh.at[didx_v.at[j0]], add=True)

                @pl.when(j0 + 2 < B_CH)
                def _():
                    pltpu.async_copy(y_hbm.at[sidx_v.at[j0 + 2]], rows0, sem0)

                pltpu.make_async_copy(y_hbm.at[sidx_v.at[j0 + 1]], rows1, sem1).wait()
                pltpu.sync_copy(rows1, acc_sh.at[didx_v.at[j0 + 1]], add=True)
                return carry

            lax.fori_loop(0, B_CH // 2, pair, 0)
            return carry

        lax.fori_loop(0, NB, block, 0)
        plsc.subcore_barrier()
        pltpu.sync_copy(acc_sh.at[pl.ds(s * zr, zr)],
                        out_hbm.at[c, pl.ds(s * zr, zr)])

    return agg_kernel


def _make_scale_kernel(n_pad):
    R = 1024

    def body(h0_ref, h1_ref, x_ref, y_ref, dinv_ref):
        deg = h0_ref[:, :1] + h1_ref[:, :1] + 1.0
        dinv = lax.rsqrt(deg)
        y_ref[...] = x_ref[...] * dinv
        dinv_ref[...] = dinv

    return pl.pallas_call(
        body,
        grid=(n_pad // R,),
        in_specs=[
            pl.BlockSpec((R, D), lambda i: (i, 0)),
            pl.BlockSpec((R, D), lambda i: (i, 0)),
            pl.BlockSpec((R, D), lambda i: (i, 0)),
        ],
        out_specs=[
            pl.BlockSpec((R, D), lambda i: (i, 0)),
            pl.BlockSpec((R, 1), lambda i: (i, 0)),
        ],
        out_shape=[
            jax.ShapeDtypeStruct((n_pad, D), jnp.float32),
            jax.ShapeDtypeStruct((n_pad, 1), jnp.float32),
        ],
    )


def _make_dense_kernel(n_pad):
    R = 1024

    def body(acc0_ref, acc1_ref, y_ref, dinv_ref, alpha_ref,
             wcat_ref, bcat_ref, wf_ref, bf_ref, wc_ref, bc_ref, out_ref):
        agg = dinv_ref[...] * (acc0_ref[...] + acc1_ref[...] + y_ref[...])
        hcat = jnp.dot(agg, wcat_ref[...], preferred_element_type=jnp.float32)
        hcat = hcat + bcat_ref[...]
        a = alpha_ref[...]
        h = a * hcat[:, :D] + (1.0 - a) * hcat[:, D:]
        h = jnp.maximum(h, 0.0)
        h2 = jnp.dot(h, wf_ref[...], preferred_element_type=jnp.float32)
        h2 = jnp.maximum(h2 + bf_ref[...], 0.0)
        out_ref[...] = (
            jnp.dot(h2, wc_ref[...], preferred_element_type=jnp.float32)
            + bc_ref[...]
        )

    full = lambda i: (0, 0)
    return pl.pallas_call(
        body,
        grid=(n_pad // R,),
        in_specs=[
            pl.BlockSpec((R, D), lambda i: (i, 0)),
            pl.BlockSpec((R, D), lambda i: (i, 0)),
            pl.BlockSpec((R, D), lambda i: (i, 0)),
            pl.BlockSpec((R, 1), lambda i: (i, 0)),
            pl.BlockSpec((R, 1), lambda i: (i, 0)),
            pl.BlockSpec((D, 2 * D), full),
            pl.BlockSpec((1, 2 * D), full),
            pl.BlockSpec((D, 64), full),
            pl.BlockSpec((1, 64), full),
            pl.BlockSpec((64, 8), full),
            pl.BlockSpec((1, 8), full),
        ],
        out_specs=pl.BlockSpec((R, 8), lambda i: (i, 0)),
        out_shape=jax.ShapeDtypeStruct((n_pad, 8), jnp.float32),
    )


def kernel(x, edge_index, h_node, W_homo, b_homo, W_het, b_het, Wf, bf, Wc, bc):
    N = x.shape[0]
    E = edge_index.shape[1]
    n_pad = ((N + 1) + NS * CHUNK - 1) // (NS * CHUNK) * (NS * CHUNK)
    G = (E + NW * CHUNK * B_CH - 1) // (NW * CHUNK * B_CH) * B_CH
    e_pad = G * NW * CHUNK

    src = edge_index[0].astype(jnp.int32)
    dst = edge_index[1].astype(jnp.int32)
    pad_idx = jnp.full((e_pad - E,), N, dtype=jnp.int32)
    src3 = jnp.concatenate([src, pad_idx]).reshape(NW, G, CHUNK)
    dst3 = jnp.concatenate([dst, pad_idx]).reshape(NW, G, CHUNK)

    hist = _make_degree_kernel(n_pad, G)(dst3)

    x_pad = jnp.zeros((n_pad, D), jnp.float32).at[:N].set(x)
    y_pad, dinv = _make_scale_kernel(n_pad)(hist[0], hist[1], x_pad)

    acc = _make_agg_kernel(n_pad, G)(y_pad, src3, dst3)

    alpha_pad = jnp.zeros((n_pad, 1), jnp.float32).at[:N, 0].set(1.0 - h_node)
    wcat = jnp.concatenate([W_homo, W_het], axis=1)
    bcat = jnp.concatenate([b_homo, b_het])[None, :]
    wc_pad = jnp.zeros((64, 8), jnp.float32).at[:, : Wc.shape[1]].set(Wc)
    bc_pad = jnp.zeros((1, 8), jnp.float32).at[0, : Wc.shape[1]].set(bc)

    out = _make_dense_kernel(n_pad)(
        acc[0], acc[1], y_pad, dinv, alpha_pad,
        wcat, bcat, Wf, bf[None, :], wc_pad, bc_pad,
    )
    return out[:N, : Wc.shape[1]]

# --- scband reference (transcript-rebuilt; emitter-appended) ---
"""Pipeline reference for scband-hmcen-c-18287970746773 (READ-ONLY COPY).

The authoritative reference and input builder live on the scoring server;
editing this copy changes nothing except your own understanding.
"""

import jax, jax.numpy as jnp
import numpy as np

N_NODES = 10000
N_EDGES = 320000
D_IN = 128
D_HID = 128


def gcn_conv(x, edge_index, W, b, num_nodes):
    # PyG-style GCNConv: add self-loops, symmetric normalization, then aggregate.
    src = edge_index[0]
    dst = edge_index[1]
    loop = jnp.arange(num_nodes, dtype=edge_index.dtype)
    src = jnp.concatenate([src, loop])
    dst = jnp.concatenate([dst, loop])
    deg = jnp.zeros((num_nodes,), dtype=x.dtype).at[dst].add(1.0)
    deg_inv_sqrt = jnp.where(deg > 0, 1.0 / jnp.sqrt(deg), 0.0)
    norm = deg_inv_sqrt[src] * deg_inv_sqrt[dst]
    xw = x @ W
    msg = xw[src] * norm[:, None]
    out = jnp.zeros((num_nodes, W.shape[1]), dtype=x.dtype).at[dst].add(msg)
    return out + b


def setup_inputs(seed: int = 0) -> dict:
    key = jax.random.key(seed)
    ks = jax.random.split(key, 12)
    x = jax.random.normal(ks[0], (N_NODES, D_IN), dtype=jnp.float32)
    edge_index = jax.random.randint(ks[1], (2, N_EDGES), 0, N_NODES, dtype=jnp.int64 if jax.config.jax_enable_x64 else jnp.int32).astype(jnp.int32)
    h_node = jax.random.uniform(ks[2], (N_NODES,), dtype=jnp.float32)
    s_in = 1.0 / np.sqrt(D_IN)
    s_hid = 1.0 / np.sqrt(D_HID)
    s_64 = 1.0 / np.sqrt(64)
    W_homo = jax.random.uniform(ks[3], (D_IN, D_HID), minval=-s_in, maxval=s_in, dtype=jnp.float32)
    b_homo = jnp.zeros((D_HID,), dtype=jnp.float32)
    W_het = jax.random.uniform(ks[4], (D_IN, D_HID), minval=-s_in, maxval=s_in, dtype=jnp.float32)
    b_het = jnp.zeros((D_HID,), dtype=jnp.float32)
    Wf = jax.random.uniform(ks[5], (D_HID, 64), minval=-s_hid, maxval=s_hid, dtype=jnp.float32)
    bf = jax.random.uniform(ks[6], (64,), minval=-s_hid, maxval=s_hid, dtype=jnp.float32)
    Wc = jax.random.uniform(ks[7], (64, 2), minval=-s_64, maxval=s_64, dtype=jnp.float32)
    bc = jax.random.uniform(ks[8], (2,), minval=-s_64, maxval=s_64, dtype=jnp.float32)
    return {"x": x, "edge_index": edge_index, "h_node": h_node,
            "W_homo": W_homo, "b_homo": b_homo, "W_het": W_het, "b_het": b_het,
            "Wf": Wf, "bf": bf, "Wc": Wc, "bc": bc}


def reference(x, edge_index, h_node, W_homo, b_homo, W_het, b_het, Wf, bf, Wc, bc):
    num_nodes = x.shape[0]
    h_homo = gcn_conv(x, edge_index, W_homo, b_homo, num_nodes)
    h_hetero = gcn_conv(x, edge_index, W_het, b_het, num_nodes)
    alpha = (1.0 - h_node)[:, None]
    h_fused = alpha * h_homo + (1.0 - alpha) * h_hetero
    h_fused = jax.nn.relu(h_fused)
    h_final = jax.nn.relu(h_fused @ Wf + bf)
    logits = h_final @ Wc + bc
    return logits

if __name__ == "__main__":
    import jax
    _d = setup_inputs()
    print(jax.jit(kernel)(*tuple(_d.values())))

</pallas_src>

<mosaic_0001>
#map = affine_map<(d0, d1) -> (0, 0, 0)>
module attributes {stable_mosaic.version = 14 : i64} {
  func.func @deg_kernel(%arg0: i32, %arg1: i32, %arg2: memref<32x80x128xi32, #tpu.memory_space<hbm>>, %arg3: memref<2x10240x128xf32, #tpu.memory_space<hbm>>, %arg4: memref<80x128xi32, #tpu.memory_space<vmem>>, %arg5: memref<128x128xf32, #tpu.memory_space<vmem>>, %arg6: memref<10240x128xf32, #tpu.memory_space<vmem_shared>>, %arg7: memref<!tpu.dma_semaphore, #tpu.memory_space<semaphore_mem>>, %arg8: memref<!tpu.dma_semaphore, #tpu.memory_space<semaphore_mem>>) attributes {dimension_semantics = [#tpu.dimension_semantics<core_parallel>, #tpu.dimension_semantics<subcore_parallel>], iteration_bounds = array<i64: 2, 16>, scalar_prefetch = 0 : i64, scratch_operands = 5 : i64, tpu.core_type = #tpu.core_type<sc_vector_subcore>, window_params = [{transform_indices = #map}, {transform_indices = #map}]} {
    %mul3A = arith.constant 16 : i32
    %mul3A_0 = arith.muli %arg0, %mul3A : i32
    %add3A = arith.addi %mul3A_0, %arg1 : i32
    %dma_start3A = arith.constant 0 : i32
    %dma_start3A_1 = arith.constant 0 : i32
    %dma_start3A_2 = tpu.memref_slice %arg2[%add3A, %dma_start3A, %dma_start3A_1] : memref<32x80x128xi32, #tpu.memory_space<hbm>> -> memref<1x80x128xi32, #tpu.memory_space<hbm>>
    %dma_start3A_3 = tpu.memref_squeeze %dma_start3A_2 : memref<1x80x128xi32, #tpu.memory_space<hbm>> -> memref<80x128xi32, #tpu.memory_space<hbm>>
    %dma_start3A_4 = arith.constant 0 : i32
    %dma_start3A_5 = arith.constant 0 : i32
    %dma_start3A_6 = tpu.memref_slice %arg2[%add3A, %dma_start3A_4, %dma_start3A_5] : memref<32x80x128xi32, #tpu.memory_space<hbm>> -> memref<1x80x128xi32, #tpu.memory_space<hbm>>
    %dma_start3A_7 = tpu.memref_squeeze %dma_start3A_6 : memref<1x80x128xi32, #tpu.memory_space<hbm>> -> memref<80x128xi32, #tpu.memory_space<hbm>>
    tpu.enqueue_dma source(%dma_start3A_7 : memref<80x128xi32, #tpu.memory_space<hbm>>) target(%arg4 : memref<80x128xi32, #tpu.memory_space<vmem>>) target_semaphore(%arg7 : memref<!tpu.dma_semaphore, #tpu.memory_space<semaphore_mem>>)
    %broadcast_in_dim3A = arith.constant 0.000000e+00 : f32
    %broadcast_in_dim3A_8 = vector.broadcast %broadcast_in_dim3A : f32 to vector<16xf32>
    %scan3A = arith.constant 0 : i32
    %scan3A_9 = arith.constant 0 : i32
    %scan3A_10 = arith.constant 1024 : i32
    %scan3A_11 = arith.addi %scan3A_9, %scan3A_10 : i32
    %scan3A_12 = arith.constant 1 : i32
    scf.for %scan3A_52 = %scan3A_9 to %scan3A_11 step %scan3A_12  : i32 {
      %jit3A = arith.constant 8 : i32
      %div3A = arith.divsi %scan3A_52, %jit3A : i32
      %sign3A = arith.constant 0 : i32
      %sign3A_53 = arith.cmpi sgt, %scan3A_52, %sign3A : i32
      %sign3A_54 = arith.extui %sign3A_53 : i1 to i32
      %sign3A_55 = arith.constant 0 : i32
      %sign3A_56 = arith.cmpi slt, %scan3A_52, %sign3A_55 : i32
      %sign3A_57 = arith.extui %sign3A_56 : i1 to i32
      %sign3A_58 = arith.subi %sign3A_54, %sign3A_57 : i32
      %sign3A_59 = arith.constant 0 : i32
      %sign3A_60 = arith.cmpi sgt, %jit3A, %sign3A_59 : i32
      %sign3A_61 = arith.extui %sign3A_60 : i1 to i32
      %sign3A_62 = arith.constant 0 : i32
      %sign3A_63 = arith.cmpi slt, %jit3A, %sign3A_62 : i32
      %sign3A_64 = arith.extui %sign3A_63 : i1 to i32
      %sign3A_65 = arith.subi %sign3A_61, %sign3A_64 : i32
      %ne3A = arith.cmpi ne, %sign3A_58, %sign3A_65 : i32
      %rem3A = arith.remsi %scan3A_52, %jit3A : i32
      %ne3A_66 = arith.constant 0 : i32
      %ne3A_67 = arith.cmpi ne, %rem3A, %ne3A_66 : i32
      %and3A = arith.andi %ne3A, %ne3A_67 : i1
      %sub3A = arith.constant 1 : i32
      %sub3A_68 = arith.subi %div3A, %sub3A : i32
      %select_n3A = arith.select %and3A, %sub3A_68, %div3A : i32
      %jit3A_69 = arith.constant 8 : i32
      %eq3A = arith.constant 0 : i32
      %eq3A_70 = arith.cmpi eq, %jit3A_69, %eq3A : i32
      %jit3A_71 = arith.constant 1 : i32
      %select_n3A_72 = arith.select %eq3A_70, %jit3A_71, %jit3A_69 : i32
      %rem3A_73 = arith.remsi %scan3A_52, %select_n3A_72 : i32
      %ne3A_74 = arith.constant 0 : i32
      %ne3A_75 = arith.cmpi ne, %rem3A_73, %ne3A_74 : i32
      %lt3A = arith.constant 0 : i32
      %lt3A_76 = arith.cmpi slt, %rem3A_73, %lt3A : i32
      %lt3A_77 = arith.constant 0 : i32
      %lt3A_78 = arith.cmpi slt, %select_n3A_72, %lt3A_77 : i32
      %ne3A_79 = arith.xori %lt3A_76, %lt3A_78 : i1
      %and3A_80 = arith.andi %ne3A_79, %ne3A_75 : i1
      %add3A_81 = arith.addi %rem3A_73, %select_n3A_72 : i32
      %select_n3A_82 = arith.select %and3A_80, %add3A_81, %rem3A_73 : i32
      %mul3A_83 = arith.constant 16 : i32
      %mul3A_84 = arith.muli %select_n3A_82, %mul3A_83 : i32
      %swap3A = arith.index_cast %select_n3A : i32 to index
      %swap3A_85 = arith.index_cast %mul3A_84 : i32 to index
      %swap3A_86 = tpu.vector_load %arg5[%swap3A, %swap3A_85] {strides = array<i32>} : memref<128x128xf32, #tpu.memory_space<vmem>>, vector<1x16xf32>,
      %swap3A_87 = vector.shape_cast %swap3A_86 : vector<1x16xf32> to vector<16xf32>
      %swap3A_88 = vector.shape_cast %broadcast_in_dim3A_8 : vector<16xf32> to vector<1x16xf32>
      tpu.vector_store %arg5[%swap3A, %swap3A_85], %swap3A_88 {strides = array<i32>} : memref<128x128xf32, #tpu.memory_space<vmem>>, vector<1x16xf32>,
    }
    %scan3A_13 = arith.constant 1024 : i32
    %scan3A_14 = arith.constant 0 : i32
    %scan3A_15 = arith.constant 0 : i32
    %scan3A_16 = arith.constant 5 : i32
    %scan3A_17 = arith.addi %scan3A_15, %scan3A_16 : i32
    %scan3A_18 = arith.constant 1 : i32
    scf.for %scan3A_52 = %scan3A_15 to %scan3A_17 step %scan3A_18  : i32 {
      %mul3A_53 = arith.constant 640 : i32
      %mul3A_54 = arith.muli %arg1, %mul3A_53 : i32
      %mul3A_55 = arith.constant 128 : i32
      %mul3A_56 = arith.muli %scan3A_52, %mul3A_55 : i32
      %add3A_57 = arith.addi %mul3A_54, %mul3A_56 : i32
      "tpu.region"() ({
        %run_scoped3A = tpu.sem_alloc : memref<!tpu.dma_semaphore, #tpu.memory_space<semaphore_mem>>
        %dma_start3A_58 = arith.constant 0 : i32
        %dma_start3A_59 = tpu.memref_slice %arg6[%add3A_57, %dma_start3A_58] : memref<10240x128xf32, #tpu.memory_space<vmem_shared>> -> memref<128x128xf32, #tpu.memory_space<vmem_shared>>
        %dma_start3A_60 = arith.constant 0 : i32
        %dma_start3A_61 = tpu.memref_slice %arg6[%add3A_57, %dma_start3A_60] : memref<10240x128xf32, #tpu.memory_space<vmem_shared>> -> memref<128x128xf32, #tpu.memory_space<vmem_shared>>
        tpu.enqueue_dma source(%arg5 : memref<128x128xf32, #tpu.memory_space<vmem>>) target(%dma_start3A_61 : memref<128x128xf32, #tpu.memory_space<vmem_shared>>) target_semaphore(%run_scoped3A : memref<!tpu.dma_semaphore, #tpu.memory_space<semaphore_mem>>)
        %dma_wait3A_62 = arith.constant 0 : i32
        %dma_wait3A_63 = tpu.memref_slice %arg6[%add3A_57, %dma_wait3A_62] : memref<10240x128xf32, #tpu.memory_space<vmem_shared>> -> memref<128x128xf32, #tpu.memory_space<vmem_shared>>
        %dma_wait3A_64 = arith.constant 0 : i32
        %dma_wait3A_65 = tpu.memref_slice %arg6[%add3A_57, %dma_wait3A_64] : memref<10240x128xf32, #tpu.memory_space<vmem_shared>> -> memref<128x128xf32, #tpu.memory_space<vmem_shared>>
        tpu.wait_dma2 semaphore(%run_scoped3A : memref<!tpu.dma_semaphore, #tpu.memory_space<semaphore_mem>>) src(%arg5 : memref<128x128xf32, #tpu.memory_space<vmem>>) dst(%dma_wait3A_65 : memref<128x128xf32, #tpu.memory_space<vmem_shared>>)
        tpu.yield
      }) : () -> ()
    }
    %scan3A_19 = arith.constant 5 : i32
    %broadcast_in_dim3A_20 = arith.constant 1.000000e+00 : f32
    %broadcast_in_dim3A_21 = vector.broadcast %broadcast_in_dim3A_20 : f32 to vector<16xf32>
    %scan3A_22 = arith.constant 0 : i32
    %scan3A_23 = arith.constant 0 : i32
    %scan3A_24 = arith.constant 1024 : i32
    %scan3A_25 = arith.addi %scan3A_23, %scan3A_24 : i32
    %scan3A_26 = arith.constant 1 : i32
    scf.for %scan3A_52 = %scan3A_23 to %scan3A_25 step %scan3A_26  : i32 {
      %jit3A = arith.constant 8 : i32
      %div3A = arith.divsi %scan3A_52, %jit3A : i32
      %sign3A = arith.constant 0 : i32
      %sign3A_53 = arith.cmpi sgt, %scan3A_52, %sign3A : i32
      %sign3A_54 = arith.extui %sign3A_53 : i1 to i32
      %sign3A_55 = arith.constant 0 : i32
      %sign3A_56 = arith.cmpi slt, %scan3A_52, %sign3A_55 : i32
      %sign3A_57 = arith.extui %sign3A_56 : i1 to i32
      %sign3A_58 = arith.subi %sign3A_54, %sign3A_57 : i32
      %sign3A_59 = arith.constant 0 : i32
      %sign3A_60 = arith.cmpi sgt, %jit3A, %sign3A_59 : i32
      %sign3A_61 = arith.extui %sign3A_60 : i1 to i32
      %sign3A_62 = arith.constant 0 : i32
      %sign3A_63 = arith.cmpi slt, %jit3A, %sign3A_62 : i32
      %sign3A_64 = arith.extui %sign3A_63 : i1 to i32
      %sign3A_65 = arith.subi %sign3A_61, %sign3A_64 : i32
      %ne3A = arith.cmpi ne, %sign3A_58, %sign3A_65 : i32
      %rem3A = arith.remsi %scan3A_52, %jit3A : i32
      %ne3A_66 = arith.constant 0 : i32
      %ne3A_67 = arith.cmpi ne, %rem3A, %ne3A_66 : i32
      %and3A = arith.andi %ne3A, %ne3A_67 : i1
      %sub3A = arith.constant 1 : i32
      %sub3A_68 = arith.subi %div3A, %sub3A : i32
      %select_n3A = arith.select %and3A, %sub3A_68, %div3A : i32
      %jit3A_69 = arith.constant 8 : i32
      %eq3A = arith.constant 0 : i32
      %eq3A_70 = arith.cmpi eq, %jit3A_69, %eq3A : i32
      %jit3A_71 = arith.constant 1 : i32
      %select_n3A_72 = arith.select %eq3A_70, %jit3A_71, %jit3A_69 : i32
      %rem3A_73 = arith.remsi %scan3A_52, %select_n3A_72 : i32
      %ne3A_74 = arith.constant 0 : i32
      %ne3A_75 = arith.cmpi ne, %rem3A_73, %ne3A_74 : i32
      %lt3A = arith.constant 0 : i32
      %lt3A_76 = arith.cmpi slt, %rem3A_73, %lt3A : i32
      %lt3A_77 = arith.constant 0 : i32
      %lt3A_78 = arith.cmpi slt, %select_n3A_72, %lt3A_77 : i32
      %ne3A_79 = arith.xori %lt3A_76, %lt3A_78 : i1
      %and3A_80 = arith.andi %ne3A_79, %ne3A_75 : i1
      %add3A_81 = arith.addi %rem3A_73, %select_n3A_72 : i32
      %select_n3A_82 = arith.select %and3A_80, %add3A_81, %rem3A_73 : i32
      %mul3A_83 = arith.constant 16 : i32
      %mul3A_84 = arith.muli %select_n3A_82, %mul3A_83 : i32
      %swap3A = arith.index_cast %select_n3A : i32 to index
      %swap3A_85 = arith.index_cast %mul3A_84 : i32 to index
      %swap3A_86 = tpu.vector_load %arg5[%swap3A, %swap3A_85] {strides = array<i32>} : memref<128x128xf32, #tpu.memory_space<vmem>>, vector<1x16xf32>,
      %swap3A_87 = vector.shape_cast %swap3A_86 : vector<1x16xf32> to vector<16xf32>
      %swap3A_88 = vector.shape_cast %broadcast_in_dim3A_21 : vector<16xf32> to vector<1x16xf32>
      tpu.vector_store %arg5[%swap3A, %swap3A_85], %swap3A_88 {strides = array<i32>} : memref<128x128xf32, #tpu.memory_space<vmem>>, vector<1x16xf32>,
    }
    %scan3A_27 = arith.constant 1024 : i32
    %dma_wait3A = arith.constant 0 : i32
    %dma_wait3A_28 = arith.constant 0 : i32
    %dma_wait3A_29 = tpu.memref_slice %arg2[%add3A, %dma_wait3A, %dma_wait3A_28] : memref<32x80x128xi32, #tpu.memory_space<hbm>> -> memref<1x80x128xi32, #tpu.memory_space<hbm>>
    %dma_wait3A_30 = tpu.memref_squeeze %dma_wait3A_29 : memref<1x80x128xi32, #tpu.memory_space<hbm>> -> memref<80x128xi32, #tpu.memory_space<hbm>>
    %dma_wait3A_31 = arith.constant 0 : i32
    %dma_wait3A_32 = arith.constant 0 : i32
    %dma_wait3A_33 = tpu.memref_slice %arg2[%add3A, %dma_wait3A_31, %dma_wait3A_32] : memref<32x80x128xi32, #tpu.memory_space<hbm>> -> memref<1x80x128xi32, #tpu.memory_space<hbm>>
    %dma_wait3A_34 = tpu.memref_squeeze %dma_wait3A_33 : memref<1x80x128xi32, #tpu.memory_space<hbm>> -> memref<80x128xi32, #tpu.memory_space<hbm>>
    tpu.wait_dma2 semaphore(%arg7 : memref<!tpu.dma_semaphore, #tpu.memory_space<semaphore_mem>>) src(%dma_wait3A_34 : memref<80x128xi32, #tpu.memory_space<hbm>>) dst(%arg4 : memref<80x128xi32, #tpu.memory_space<vmem>>)
    %barrier3A = arith.constant 0 : index
    tpu.barrier barrier_id(%barrier3A)
    %scan3A_35 = arith.constant 0 : i32
    %scan3A_36 = arith.constant 0 : i32
    %scan3A_37 = arith.constant 80 : i32
    %scan3A_38 = arith.addi %scan3A_36, %scan3A_37 : i32
    %scan3A_39 = arith.constant 1 : i32
    scf.for %scan3A_52 = %scan3A_36 to %scan3A_38 step %scan3A_39  : i32 {
      %dma_start3A_53 = arith.constant 0 : i32
      %dma_start3A_54 = tpu.memref_slice %arg4[%scan3A_52, %dma_start3A_53] : memref<80x128xi32, #tpu.memory_space<vmem>> -> memref<1x128xi32, #tpu.memory_space<vmem>>
      %dma_start3A_55 = tpu.memref_squeeze %dma_start3A_54 : memref<1x128xi32, #tpu.memory_space<vmem>> -> memref<128xi32, #tpu.memory_space<vmem>>
      %dma_start3A_56 = arith.constant 0 : i32
      %dma_start3A_57 = arith.constant 0 : i32
      %dma_start3A_58 = tpu.memref_slice %arg6[%dma_start3A_56, %dma_start3A_57] : memref<10240x128xf32, #tpu.memory_space<vmem_shared>> -> memref<10240x128xf32, #tpu.memory_space<vmem_shared>>
      tpu.enqueue_indirect_dma source(%arg5 : memref<128x128xf32, #tpu.memory_space<vmem>>) target(%dma_start3A_58 : memref<10240x128xf32, #tpu.memory_space<vmem_shared>>) offsets(%dma_start3A_55 : memref<128xi32, #tpu.memory_space<vmem>>) semaphore(%arg8 : memref<!tpu.dma_semaphore, #tpu.memory_space<semaphore_mem>>) {add = true}
      %ge3A = arith.constant 4 : i32
      %ge3A_59 = arith.cmpi sge, %scan3A_52, %ge3A : i32
      %convert_element_type3A = arith.extui %ge3A_59 : i1 to i32
      %cond3A = arith.constant 0 : i32
      %cond3A_60 = arith.cmpi ne, %convert_element_type3A, %cond3A : i32
      scf.if %cond3A_60 {
        %dma_wait3A_61 = arith.constant 0 : i32
        %dma_wait3A_62 = tpu.memref_slice %arg4[%scan3A_52, %dma_wait3A_61] : memref<80x128xi32, #tpu.memory_space<vmem>> -> memref<1x128xi32, #tpu.memory_space<vmem>>
        %dma_wait3A_63 = tpu.memref_squeeze %dma_wait3A_62 : memref<1x128xi32, #tpu.memory_space<vmem>> -> memref<128xi32, #tpu.memory_space<vmem>>
        %dma_wait3A_64 = arith.constant 0 : i32
        %dma_wait3A_65 = arith.constant 0 : i32
        %dma_wait3A_66 = tpu.memref_slice %arg6[%dma_wait3A_64, %dma_wait3A_65] : memref<10240x128xf32, #tpu.memory_space<vmem_shared>> -> memref<10240x128xf32, #tpu.memory_space<vmem_shared>>
        tpu.wait_indirect_dma semaphore(%arg8 : memref<!tpu.dma_semaphore, #tpu.memory_space<semaphore_mem>>) src(%arg5 : memref<128x128xf32, #tpu.memory_space<vmem>>) dst(%dma_wait3A_66 : memref<10240x128xf32, #tpu.memory_space<vmem_shared>>)
      } else {
      }
    }
    %scan3A_40 = arith.constant 80 : i32
    %scan3A_41 = arith.constant 0 : i32
    %scan3A_42 = arith.constant 0 : i32
    %scan3A_43 = arith.constant 4 : i32
    %scan3A_44 = arith.addi %scan3A_42, %scan3A_43 : i32
    %scan3A_45 = arith.constant 1 : i32
    scf.for %scan3A_52 = %scan3A_42 to %scan3A_44 step %scan3A_45  : i32 {
      %dma_wait3A_53 = arith.constant 0 : i32
      %dma_wait3A_54 = arith.constant 0 : i32
      %dma_wait3A_55 = tpu.memref_slice %arg4[%dma_wait3A_53, %dma_wait3A_54] : memref<80x128xi32, #tpu.memory_space<vmem>> -> memref<1x128xi32, #tpu.memory_space<vmem>>
      %dma_wait3A_56 = tpu.memref_squeeze %dma_wait3A_55 : memref<1x128xi32, #tpu.memory_space<vmem>> -> memref<128xi32, #tpu.memory_space<vmem>>
      %dma_wait3A_57 = arith.constant 0 : i32
      %dma_wait3A_58 = arith.constant 0 : i32
      %dma_wait3A_59 = tpu.memref_slice %arg6[%dma_wait3A_57, %dma_wait3A_58] : memref<10240x128xf32, #tpu.memory_space<vmem_shared>> -> memref<10240x128xf32, #tpu.memory_space<vmem_shared>>
      tpu.wait_indirect_dma semaphore(%arg8 : memref<!tpu.dma_semaphore, #tpu.memory_space<semaphore_mem>>) src(%arg5 : memref<128x128xf32, #tpu.memory_space<vmem>>) dst(%dma_wait3A_59 : memref<10240x128xf32, #tpu.memory_space<vmem_shared>>)
    }
    %scan3A_46 = arith.constant 4 : i32
    %barrier3A_47 = arith.constant 0 : index
    tpu.barrier barrier_id(%barrier3A_47)
    %mul3A_48 = arith.constant 640 : i32
    %mul3A_49 = arith.muli %arg1, %mul3A_48 : i32
    %mul3A_50 = arith.constant 640 : i32
    %mul3A_51 = arith.muli %arg1, %mul3A_50 : i32
    "tpu.region"() ({
      %run_scoped3A = tpu.sem_alloc : memref<!tpu.dma_semaphore, #tpu.memory_space<semaphore_mem>>
      %dma_start3A_52 = arith.constant 0 : i32
      %dma_start3A_53 = tpu.memref_slice %arg3[%arg0, %mul3A_51, %dma_start3A_52] : memref<2x10240x128xf32, #tpu.memory_space<hbm>> -> memref<1x640x128xf32, #tpu.memory_space<hbm>>
      %dma_start3A_54 = tpu.memref_squeeze %dma_start3A_53 : memref<1x640x128xf32, #tpu.memory_space<hbm>> -> memref<640x128xf32, #tpu.memory_space<hbm>>
      %dma_start3A_55 = arith.constant 0 : i32
      %dma_start3A_56 = tpu.memref_slice %arg6[%mul3A_49, %dma_start3A_55] : memref<10240x128xf32, #tpu.memory_space<vmem_shared>> -> memref<640x128xf32, #tpu.memory_space<vmem_shared>>
      tpu.enqueue_dma source(%dma_start3A_56 : memref<640x128xf32, #tpu.memory_space<vmem_shared>>) target(%dma_start3A_54 : memref<640x128xf32, #tpu.memory_space<hbm>>) target_semaphore(%run_scoped3A : memref<!tpu.dma_semaphore, #tpu.memory_space<semaphore_mem>>)
      %dma_wait3A_57 = arith.constant 0 : i32
      %dma_wait3A_58 = tpu.memref_slice %arg3[%arg0, %mul3A_51, %dma_wait3A_57] : memref<2x10240x128xf32, #tpu.memory_space<hbm>> -> memref<1x640x128xf32, #tpu.memory_space<hbm>>
      %dma_wait3A_59 = tpu.memref_squeeze %dma_wait3A_58 : memref<1x640x128xf32, #tpu.memory_space<hbm>> -> memref<640x128xf32, #tpu.memory_space<hbm>>
      %dma_wait3A_60 = arith.constant 0 : i32
      %dma_wait3A_61 = tpu.memref_slice %arg6[%mul3A_49, %dma_wait3A_60] : memref<10240x128xf32, #tpu.memory_space<vmem_shared>> -> memref<640x128xf32, #tpu.memory_space<vmem_shared>>
      tpu.wait_dma2 semaphore(%run_scoped3A : memref<!tpu.dma_semaphore, #tpu.memory_space<semaphore_mem>>) src(%dma_wait3A_61 : memref<640x128xf32, #tpu.memory_space<vmem_shared>>) dst(%dma_wait3A_59 : memref<640x128xf32, #tpu.memory_space<hbm>>)
      tpu.yield
    }) : () -> ()
    return
  }
}

#map = affine_map<(d0, d1) -> (0, 0)>
#map1 = affine_map<(d0, d1) -> (0, 0, 0)>
module attributes {stable_mosaic.version = 14 : i64} {
  func.func @agg_kernel(%arg0: i32, %arg1: i32, %arg2: memref<10240x128xf32, #tpu.memory_space<hbm>>, %arg3: memref<32x80x128xi32, #tpu.memory_space<hbm>>, %arg4: memref<32x80x128xi32, #tpu.memory_space<hbm>>, %arg5: memref<2x10240x128xf32, #tpu.memory_space<hbm>>, %arg6: memref<16x128xi32, #tpu.memory_space<vmem>>, %arg7: memref<16x128xi32, #tpu.memory_space<vmem>>, %arg8: memref<128x128xf32, #tpu.memory_space<vmem>>, %arg9: memref<128x128xf32, #tpu.memory_space<vmem>>, %arg10: memref<10240x128xf32, #tpu.memory_space<vmem_shared>>, %arg11: memref<!tpu.dma_semaphore, #tpu.memory_space<semaphore_mem>>, %arg12: memref<!tpu.dma_semaphore, #tpu.memory_space<semaphore_mem>>, %arg13: memref<!tpu.dma_semaphore, #tpu.memory_space<semaphore_mem>>) attributes {dimension_semantics = [#tpu.dimension_semantics<core_parallel>, #tpu.dimension_semantics<subcore_parallel>], iteration_bounds = array<i64: 2, 16>, scalar_prefetch = 0 : i64, scratch_operands = 8 : i64, tpu.core_type = #tpu.core_type<sc_vector_subcore>, window_params = [{transform_indices = #map}, {transform_indices = #map1}, {transform_indices = #map1}, {transform_indices = #map1}]} {
    %mul3A = arith.constant 16 : i32
    %mul3A_0 = arith.muli %arg0, %mul3A : i32
    %add3A = arith.addi %mul3A_0, %arg1 : i32
    %broadcast_in_dim3A = arith.constant 0.000000e+00 : f32
    %broadcast_in_dim3A_1 = vector.broadcast %broadcast_in_dim3A : f32 to vector<16xf32>
    %scan3A = arith.constant 0 : i32
    %scan3A_2 = arith.constant 0 : i32
    %scan3A_3 = arith.constant 1024 : i32
    %scan3A_4 = arith.addi %scan3A_2, %scan3A_3 : i32
    %scan3A_5 = arith.constant 1 : i32
    scf.for %scan3A_24 = %scan3A_2 to %scan3A_4 step %scan3A_5  : i32 {
      %jit3A = arith.constant 8 : i32
      %div3A = arith.divsi %scan3A_24, %jit3A : i32
      %sign3A = arith.constant 0 : i32
      %sign3A_25 = arith.cmpi sgt, %scan3A_24, %sign3A : i32
      %sign3A_26 = arith.extui %sign3A_25 : i1 to i32
      %sign3A_27 = arith.constant 0 : i32
      %sign3A_28 = arith.cmpi slt, %scan3A_24, %sign3A_27 : i32
      %sign3A_29 = arith.extui %sign3A_28 : i1 to i32
      %sign3A_30 = arith.subi %sign3A_26, %sign3A_29 : i32
      %sign3A_31 = arith.constant 0 : i32
      %sign3A_32 = arith.cmpi sgt, %jit3A, %sign3A_31 : i32
      %sign3A_33 = arith.extui %sign3A_32 : i1 to i32
      %sign3A_34 = arith.constant 0 : i32
      %sign3A_35 = arith.cmpi slt, %jit3A, %sign3A_34 : i32
      %sign3A_36 = arith.extui %sign3A_35 : i1 to i32
      %sign3A_37 = arith.subi %sign3A_33, %sign3A_36 : i32
      %ne3A = arith.cmpi ne, %sign3A_30, %sign3A_37 : i32
      %rem3A = arith.remsi %scan3A_24, %jit3A : i32
      %ne3A_38 = arith.constant 0 : i32
      %ne3A_39 = arith.cmpi ne, %rem3A, %ne3A_38 : i32
      %and3A = arith.andi %ne3A, %ne3A_39 : i1
      %sub3A = arith.constant 1 : i32
      %sub3A_40 = arith.subi %div3A, %sub3A : i32
      %select_n3A = arith.select %and3A, %sub3A_40, %div3A : i32
      %jit3A_41 = arith.constant 8 : i32
      %eq3A = arith.constant 0 : i32
      %eq3A_42 = arith.cmpi eq, %jit3A_41, %eq3A : i32
      %jit3A_43 = arith.constant 1 : i32
      %select_n3A_44 = arith.select %eq3A_42, %jit3A_43, %jit3A_41 : i32
      %rem3A_45 = arith.remsi %scan3A_24, %select_n3A_44 : i32
      %ne3A_46 = arith.constant 0 : i32
      %ne3A_47 = arith.cmpi ne, %rem3A_45, %ne3A_46 : i32
      %lt3A = arith.constant 0 : i32
      %lt3A_48 = arith.cmpi slt, %rem3A_45, %lt3A : i32
      %lt3A_49 = arith.constant 0 : i32
      %lt3A_50 = arith.cmpi slt, %select_n3A_44, %lt3A_49 : i32
      %ne3A_51 = arith.xori %lt3A_48, %lt3A_50 : i1
      %and3A_52 = arith.andi %ne3A_51, %ne3A_47 : i1
      %add3A_53 = arith.addi %rem3A_45, %select_n3A_44 : i32
      %select_n3A_54 = arith.select %and3A_52, %add3A_53, %rem3A_45 : i32
      %mul3A_55 = arith.constant 16 : i32
      %mul3A_56 = arith.muli %select_n3A_54, %mul3A_55 : i32
      %swap3A = arith.index_cast %select_n3A : i32 to index
      %swap3A_57 = arith.index_cast %mul3A_56 : i32 to index
      %swap3A_58 = tpu.vector_load %arg8[%swap3A, %swap3A_57] {strides = array<i32>} : memref<128x128xf32, #tpu.memory_space<vmem>>, vector<1x16xf32>,
      %swap3A_59 = vector.shape_cast %swap3A_58 : vector<1x16xf32> to vector<16xf32>
      %swap3A_60 = vector.shape_cast %broadcast_in_dim3A_1 : vector<16xf32> to vector<1x16xf32>
      tpu.vector_store %arg8[%swap3A, %swap3A_57], %swap3A_60 {strides = array<i32>} : memref<128x128xf32, #tpu.memory_space<vmem>>, vector<1x16xf32>,
    }
    %scan3A_6 = arith.constant 1024 : i32
    %scan3A_7 = arith.constant 0 : i32
    %scan3A_8 = arith.constant 0 : i32
    %scan3A_9 = arith.constant 5 : i32
    %scan3A_10 = arith.addi %scan3A_8, %scan3A_9 : i32
    %scan3A_11 = arith.constant 1 : i32
    scf.for %scan3A_24 = %scan3A_8 to %scan3A_10 step %scan3A_11  : i32 {
      %mul3A_25 = arith.constant 640 : i32
      %mul3A_26 = arith.muli %arg1, %mul3A_25 : i32
      %mul3A_27 = arith.constant 128 : i32
      %mul3A_28 = arith.muli %scan3A_24, %mul3A_27 : i32
      %add3A_29 = arith.addi %mul3A_26, %mul3A_28 : i32
      "tpu.region"() ({
        %run_scoped3A = tpu.sem_alloc : memref<!tpu.dma_semaphore, #tpu.memory_space<semaphore_mem>>
        %dma_start3A = arith.constant 0 : i32
        %dma_start3A_30 = tpu.memref_slice %arg10[%add3A_29, %dma_start3A] : memref<10240x128xf32, #tpu.memory_space<vmem_shared>> -> memref<128x128xf32, #tpu.memory_space<vmem_shared>>
        %dma_start3A_31 = arith.constant 0 : i32
        %dma_start3A_32 = tpu.memref_slice %arg10[%add3A_29, %dma_start3A_31] : memref<10240x128xf32, #tpu.memory_space<vmem_shared>> -> memref<128x128xf32, #tpu.memory_space<vmem_shared>>
        tpu.enqueue_dma source(%arg8 : memref<128x128xf32, #tpu.memory_space<vmem>>) target(%dma_start3A_32 : memref<128x128xf32, #tpu.memory_space<vmem_shared>>) target_semaphore(%run_scoped3A : memref<!tpu.dma_semaphore, #tpu.memory_space<semaphore_mem>>)
        %dma_wait3A = arith.constant 0 : i32
        %dma_wait3A_33 = tpu.memref_slice %arg10[%add3A_29, %dma_wait3A] : memref<10240x128xf32, #tpu.memory_space<vmem_shared>> -> memref<128x128xf32, #tpu.memory_space<vmem_shared>>
        %dma_wait3A_34 = arith.constant 0 : i32
        %dma_wait3A_35 = tpu.memref_slice %arg10[%add3A_29, %dma_wait3A_34] : memref<10240x128xf32, #tpu.memory_space<vmem_shared>> -> memref<128x128xf32, #tpu.memory_space<vmem_shared>>
        tpu.wait_dma2 semaphore(%run_scoped3A : memref<!tpu.dma_semaphore, #tpu.memory_space<semaphore_mem>>) src(%arg8 : memref<128x128xf32, #tpu.memory_space<vmem>>) dst(%dma_wait3A_35 : memref<128x128xf32, #tpu.memory_space<vmem_shared>>)
        tpu.yield
      }) : () -> ()
    }
    %scan3A_12 = arith.constant 5 : i32
    %barrier3A = arith.constant 0 : index
    tpu.barrier barrier_id(%barrier3A)
    %scan3A_13 = arith.constant 0 : i32
    %scan3A_14 = arith.constant 0 : i32
    %scan3A_15 = arith.constant 5 : i32
    %scan3A_16 = arith.addi %scan3A_14, %scan3A_15 : i32
    %scan3A_17 = arith.constant 1 : i32
    scf.for %scan3A_24 = %scan3A_14 to %scan3A_16 step %scan3A_17  : i32 {
      %mul3A_25 = arith.constant 16 : i32
      %mul3A_26 = arith.muli %scan3A_24, %mul3A_25 : i32
      %dma_start3A = arith.constant 0 : i32
      %dma_start3A_27 = tpu.memref_slice %arg3[%add3A, %mul3A_26, %dma_start3A] : memref<32x80x128xi32, #tpu.memory_space<hbm>> -> memref<1x16x128xi32, #tpu.memory_space<hbm>>
      %dma_start3A_28 = tpu.memref_squeeze %dma_start3A_27 : memref<1x16x128xi32, #tpu.memory_space<hbm>> -> memref<16x128xi32, #tpu.memory_space<hbm>>
      %dma_start3A_29 = arith.constant 0 : i32
      %dma_start3A_30 = tpu.memref_slice %arg3[%add3A, %mul3A_26, %dma_start3A_29] : memref<32x80x128xi32, #tpu.memory_space<hbm>> -> memref<1x16x128xi32, #tpu.memory_space<hbm>>
      %dma_start3A_31 = tpu.memref_squeeze %dma_start3A_30 : memref<1x16x128xi32, #tpu.memory_space<hbm>> -> memref<16x128xi32, #tpu.memory_space<hbm>>
      tpu.enqueue_dma source(%dma_start3A_31 : memref<16x128xi32, #tpu.memory_space<hbm>>) target(%arg6 : memref<16x128xi32, #tpu.memory_space<vmem>>) target_semaphore(%arg11 : memref<!tpu.dma_semaphore, #tpu.memory_space<semaphore_mem>>)
      %dma_start3A_32 = arith.constant 0 : i32
      %dma_start3A_33 = tpu.memref_slice %arg4[%add3A, %mul3A_26, %dma_start3A_32] : memref<32x80x128xi32, #tpu.memory_space<hbm>> -> memref<1x16x128xi32, #tpu.memory_space<hbm>>
      %dma_start3A_34 = tpu.memref_squeeze %dma_start3A_33 : memref<1x16x128xi32, #tpu.memory_space<hbm>> -> memref<16x128xi32, #tpu.memory_space<hbm>>
      %dma_start3A_35 = arith.constant 0 : i32
      %dma_start3A_36 = tpu.memref_slice %arg4[%add3A, %mul3A_26, %dma_start3A_35] : memref<32x80x128xi32, #tpu.memory_space<hbm>> -> memref<1x16x128xi32, #tpu.memory_space<hbm>>
      %dma_start3A_37 = tpu.memref_squeeze %dma_start3A_36 : memref<1x16x128xi32, #tpu.memory_space<hbm>> -> memref<16x128xi32, #tpu.memory_space<hbm>>
      tpu.enqueue_dma source(%dma_start3A_37 : memref<16x128xi32, #tpu.memory_space<hbm>>) target(%arg7 : memref<16x128xi32, #tpu.memory_space<vmem>>) target_semaphore(%arg11 : memref<!tpu.dma_semaphore, #tpu.memory_space<semaphore_mem>>)
      %dma_wait3A = arith.constant 0 : i32
      %dma_wait3A_38 = tpu.memref_slice %arg3[%add3A, %mul3A_26, %dma_wait3A] : memref<32x80x128xi32, #tpu.memory_space<hbm>> -> memref<1x16x128xi32, #tpu.memory_space<hbm>>
      %dma_wait3A_39 = tpu.memref_squeeze %dma_wait3A_38 : memref<1x16x128xi32, #tpu.memory_space<hbm>> -> memref<16x128xi32, #tpu.memory_space<hbm>>
      %dma_wait3A_40 = arith.constant 0 : i32
      %dma_wait3A_41 = tpu.memref_slice %arg3[%add3A, %mul3A_26, %dma_wait3A_40] : memref<32x80x128xi32, #tpu.memory_space<hbm>> -> memref<1x16x128xi32, #tpu.memory_space<hbm>>
      %dma_wait3A_42 = tpu.memref_squeeze %dma_wait3A_41 : memref<1x16x128xi32, #tpu.memory_space<hbm>> -> memref<16x128xi32, #tpu.memory_space<hbm>>
      tpu.wait_dma2 semaphore(%arg11 : memref<!tpu.dma_semaphore, #tpu.memory_space<semaphore_mem>>) src(%dma_wait3A_42 : memref<16x128xi32, #tpu.memory_space<hbm>>) dst(%arg6 : memref<16x128xi32, #tpu.memory_space<vmem>>)
      %dma_wait3A_43 = arith.constant 0 : i32
      %dma_wait3A_44 = tpu.memref_slice %arg4[%add3A, %mul3A_26, %dma_wait3A_43] : memref<32x80x128xi32, #tpu.memory_space<hbm>> -> memref<1x16x128xi32, #tpu.memory_space<hbm>>
      %dma_wait3A_45 = tpu.memref_squeeze %dma_wait3A_44 : memref<1x16x128xi32, #tpu.memory_space<hbm>> -> memref<16x128xi32, #tpu.memory_space<hbm>>
      %dma_wait3A_46 = arith.constant 0 : i32
      %dma_wait3A_47 = tpu.memref_slice %arg4[%add3A, %mul3A_26, %dma_wait3A_46] : memref<32x80x128xi32, #tpu.memory_space<hbm>> -> memref<1x16x128xi32, #tpu.memory_space<hbm>>
      %dma_wait3A_48 = tpu.memref_squeeze %dma_wait3A_47 : memref<1x16x128xi32, #tpu.memory_space<hbm>> -> memref<16x128xi32, #tpu.memory_space<hbm>>
      tpu.wait_dma2 semaphore(%arg11 : memref<!tpu.dma_semaphore, #tpu.memory_space<semaphore_mem>>) src(%dma_wait3A_48 : memref<16x128xi32, #tpu.memory_space<hbm>>) dst(%arg7 : memref<16x128xi32, #tpu.memory_space<vmem>>)
      %dma_start3A_49 = arith.constant 0 : i32
      %dma_start3A_50 = arith.constant 0 : i32
      %dma_start3A_51 = tpu.memref_slice %arg6[%dma_start3A_49, %dma_start3A_50] : memref<16x128xi32, #tpu.memory_space<vmem>> -> memref<1x128xi32, #tpu.memory_space<vmem>>
      %dma_start3A_52 = tpu.memref_squeeze %dma_start3A_51 : memref<1x128xi32, #tpu.memory_space<vmem>> -> memref<128xi32, #tpu.memory_space<vmem>>
      %dma_start3A_53 = arith.constant 0 : i32
      %dma_start3A_54 = arith.constant 0 : i32
      %dma_start3A_55 = tpu.memref_slice %arg2[%dma_start3A_53, %dma_start3A_54] : memref<10240x128xf32, #tpu.memory_space<hbm>> -> memref<10240x128xf32, #tpu.memory_space<hbm>>
      tpu.enqueue_indirect_dma source(%dma_start3A_55 : memref<10240x128xf32, #tpu.memory_space<hbm>>) target(%arg8 : memref<128x128xf32, #tpu.memory_space<vmem>>) offsets(%dma_start3A_52 : memref<128xi32, #tpu.memory_space<vmem>>) semaphore(%arg12 : memref<!tpu.dma_semaphore, #tpu.memory_space<semaphore_mem>>)
      %scan3A_56 = arith.constant 0 : i32
      %scan3A_57 = arith.constant 0 : i32
      %scan3A_58 = arith.constant 8 : i32
      %scan3A_59 = arith.addi %scan3A_57, %scan3A_58 : i32
      %scan3A_60 = arith.constant 1 : i32
      scf.for %scan3A_62 = %scan3A_57 to %scan3A_59 step %scan3A_60  : i32 {
        %mul3A_63 = arith.constant 2 : i32
        %mul3A_64 = arith.muli %scan3A_62, %mul3A_63 : i32
        %add3A_65 = arith.constant 1 : i32
        %add3A_66 = arith.addi %mul3A_64, %add3A_65 : i32
        %dma_start3A_67 = arith.constant 0 : i32
        %dma_start3A_68 = tpu.memref_slice %arg6[%add3A_66, %dma_start3A_67] : memref<16x128xi32, #tpu.memory_space<vmem>> -> memref<1x128xi32, #tpu.memory_space<vmem>>
        %dma_start3A_69 = tpu.memref_squeeze %dma_start3A_68 : memref<1x128xi32, #tpu.memory_space<vmem>> -> memref<128xi32, #tpu.memory_space<vmem>>
        %dma_start3A_70 = arith.constant 0 : i32
        %dma_start3A_71 = arith.constant 0 : i32
        %dma_start3A_72 = tpu.memref_slice %arg2[%dma_start3A_70, %dma_start3A_71] : memref<10240x128xf32, #tpu.memory_space<hbm>> -> memref<10240x128xf32, #tpu.memory_space<hbm>>
        tpu.enqueue_indirect_dma source(%dma_start3A_72 : memref<10240x128xf32, #tpu.memory_space<hbm>>) target(%arg9 : memref<128x128xf32, #tpu.memory_space<vmem>>) offsets(%dma_start3A_69 : memref<128xi32, #tpu.memory_space<vmem>>) semaphore(%arg13 : memref<!tpu.dma_semaphore, #tpu.memory_space<semaphore_mem>>)
        %dma_wait3A_73 = arith.constant 0 : i32
        %dma_wait3A_74 = tpu.memref_slice %arg6[%mul3A_64, %dma_wait3A_73] : memref<16x128xi32, #tpu.memory_space<vmem>> -> memref<1x128xi32, #tpu.memory_space<vmem>>
        %dma_wait3A_75 = tpu.memref_squeeze %dma_wait3A_74 : memref<1x128xi32, #tpu.memory_space<vmem>> -> memref<128xi32, #tpu.memory_space<vmem>>
        %dma_wait3A_76 = arith.constant 0 : i32
        %dma_wait3A_77 = arith.constant 0 : i32
        %dma_wait3A_78 = tpu.memref_slice %arg2[%dma_wait3A_76, %dma_wait3A_77] : memref<10240x128xf32, #tpu.memory_space<hbm>> -> memref<10240x128xf32, #tpu.memory_space<hbm>>
        tpu.wait_indirect_dma semaphore(%arg12 : memref<!tpu.dma_semaphore, #tpu.memory_space<semaphore_mem>>) src(%dma_wait3A_78 : memref<10240x128xf32, #tpu.memory_space<hbm>>) dst(%arg8 : memref<128x128xf32, #tpu.memory_space<vmem>>)
        "tpu.region"() ({
          %run_scoped3A = tpu.sem_alloc : memref<!tpu.dma_semaphore, #tpu.memory_space<semaphore_mem>>
          %dma_start3A_93 = arith.constant 0 : i32
          %dma_start3A_94 = tpu.memref_slice %arg7[%mul3A_64, %dma_start3A_93] : memref<16x128xi32, #tpu.memory_space<vmem>> -> memref<1x128xi32, #tpu.memory_space<vmem>>
          %dma_start3A_95 = tpu.memref_squeeze %dma_start3A_94 : memref<1x128xi32, #tpu.memory_space<vmem>> -> memref<128xi32, #tpu.memory_space<vmem>>
          %dma_start3A_96 = arith.constant 0 : i32
          %dma_start3A_97 = arith.constant 0 : i32
          %dma_start3A_98 = tpu.memref_slice %arg10[%dma_start3A_96, %dma_start3A_97] : memref<10240x128xf32, #tpu.memory_space<vmem_shared>> -> memref<10240x128xf32, #tpu.memory_space<vmem_shared>>
          tpu.enqueue_indirect_dma source(%arg8 : memref<128x128xf32, #tpu.memory_space<vmem>>) target(%dma_start3A_98 : memref<10240x128xf32, #tpu.memory_space<vmem_shared>>) offsets(%dma_start3A_95 : memref<128xi32, #tpu.memory_space<vmem>>) semaphore(%run_scoped3A : memref<!tpu.dma_semaphore, #tpu.memory_space<semaphore_mem>>) {add = true}
          %dma_wait3A_99 = arith.constant 0 : i32
          %dma_wait3A_100 = tpu.memref_slice %arg7[%mul3A_64, %dma_wait3A_99] : memref<16x128xi32, #tpu.memory_space<vmem>> -> memref<1x128xi32, #tpu.memory_space<vmem>>
          %dma_wait3A_101 = tpu.memref_squeeze %dma_wait3A_100 : memref<1x128xi32, #tpu.memory_space<vmem>> -> memref<128xi32, #tpu.memory_space<vmem>>
          %dma_wait3A_102 = arith.constant 0 : i32
          %dma_wait3A_103 = arith.constant 0 : i32
          %dma_wait3A_104 = tpu.memref_slice %arg10[%dma_wait3A_102, %dma_wait3A_103] : memref<10240x128xf32, #tpu.memory_space<vmem_shared>> -> memref<10240x128xf32, #tpu.memory_space<vmem_shared>>
          tpu.wait_indirect_dma semaphore(%run_scoped3A : memref<!tpu.dma_semaphore, #tpu.memory_space<semaphore_mem>>) src(%arg8 : memref<128x128xf32, #tpu.memory_space<vmem>>) dst(%dma_wait3A_104 : memref<10240x128xf32, #tpu.memory_space<vmem_shared>>)
          tpu.yield
        }) : () -> ()
        %add3A_79 = arith.constant 2 : i32
        %add3A_80 = arith.addi %mul3A_64, %add3A_79 : i32
        %lt3A = arith.constant 16 : i32
        %lt3A_81 = arith.cmpi slt, %add3A_80, %lt3A : i32
        %convert_element_type3A = arith.extui %lt3A_81 : i1 to i32
        %cond3A = arith.constant 0 : i32
        %cond3A_82 = arith.cmpi ne, %convert_element_type3A, %cond3A : i32
        scf.if %cond3A_82 {
          %add3A_93 = arith.constant 2 : i32
          %add3A_94 = arith.addi %mul3A_64, %add3A_93 : i32
          %dma_start3A_95 = arith.constant 0 : i32
          %dma_start3A_96 = tpu.memref_slice %arg6[%add3A_94, %dma_start3A_95] : memref<16x128xi32, #tpu.memory_space<vmem>> -> memref<1x128xi32, #tpu.memory_space<vmem>>
          %dma_start3A_97 = tpu.memref_squeeze %dma_start3A_96 : memref<1x128xi32, #tpu.memory_space<vmem>> -> memref<128xi32, #tpu.memory_space<vmem>>
          %dma_start3A_98 = arith.constant 0 : i32
          %dma_start3A_99 = arith.constant 0 : i32
          %dma_start3A_100 = tpu.memref_slice %arg2[%dma_start3A_98, %dma_start3A_99] : memref<10240x128xf32, #tpu.memory_space<hbm>> -> memref<10240x128xf32, #tpu.memory_space<hbm>>
          tpu.enqueue_indirect_dma source(%dma_start3A_100 : memref<10240x128xf32, #tpu.memory_space<hbm>>) target(%arg8 : memref<128x128xf32, #tpu.memory_space<vmem>>) offsets(%dma_start3A_97 : memref<128xi32, #tpu.memory_space<vmem>>) semaphore(%arg12 : memref<!tpu.dma_semaphore, #tpu.memory_space<semaphore_mem>>)
        } else {
        }
        %add3A_83 = arith.constant 1 : i32
        %add3A_84 = arith.addi %mul3A_64, %add3A_83 : i32
        %dma_wait3A_85 = arith.constant 0 : i32
        %dma_wait3A_86 = tpu.memref_slice %arg6[%add3A_84, %dma_wait3A_85] : memref<16x128xi32, #tpu.memory_space<vmem>> -> memref<1x128xi32, #tpu.memory_space<vmem>>
        %dma_wait3A_87 = tpu.memref_squeeze %dma_wait3A_86 : memref<1x128xi32, #tpu.memory_space<vmem>> -> memref<128xi32, #tpu.memory_space<vmem>>
        %dma_wait3A_88 = arith.constant 0 : i32
        %dma_wait3A_89 = arith.constant 0 : i32
        %dma_wait3A_90 = tpu.memref_slice %arg2[%dma_wait3A_88, %dma_wait3A_89] : memref<10240x128xf32, #tpu.memory_space<hbm>> -> memref<10240x128xf32, #tpu.memory_space<hbm>>
        tpu.wait_indirect_dma semaphore(%arg13 : memref<!tpu.dma_semaphore, #tpu.memory_space<semaphore_mem>>) src(%dma_wait3A_90 : memref<10240x128xf32, #tpu.memory_space<hbm>>) dst(%arg9 : memref<128x128xf32, #tpu.memory_space<vmem>>)
        %add3A_91 = arith.constant 1 : i32
        %add3A_92 = arith.addi %mul3A_64, %add3A_91 : i32
        "tpu.region"() ({
          %run_scoped3A = tpu.sem_alloc : memref<!tpu.dma_semaphore, #tpu.memory_space<semaphore_mem>>
          %dma_start3A_93 = arith.constant 0 : i32
          %dma_start3A_94 = tpu.memref_slice %arg7[%add3A_92, %dma_start3A_93] : memref<16x128xi32, #tpu.memory_space<vmem>> -> memref<1x128xi32, #tpu.memory_space<vmem>>
          %dma_start3A_95 = tpu.memref_squeeze %dma_start3A_94 : memref<1x128xi32, #tpu.memory_space<vmem>> -> memref<128xi32, #tpu.memory_space<vmem>>
          %dma_start3A_96 = arith.constant 0 : i32
          %dma_start3A_97 = arith.constant 0 : i32
          %dma_start3A_98 = tpu.memref_slice %arg10[%dma_start3A_96, %dma_start3A_97] : memref<10240x128xf32, #tpu.memory_space<vmem_shared>> -> memref<10240x128xf32, #tpu.memory_space<vmem_shared>>
          tpu.enqueue_indirect_dma source(%arg9 : memref<128x128xf32, #tpu.memory_space<vmem>>) target(%dma_start3A_98 : memref<10240x128xf32, #tpu.memory_space<vmem_shared>>) offsets(%dma_start3A_95 : memref<128xi32, #tpu.memory_space<vmem>>) semaphore(%run_scoped3A : memref<!tpu.dma_semaphore, #tpu.memory_space<semaphore_mem>>) {add = true}
          %dma_wait3A_99 = arith.constant 0 : i32
          %dma_wait3A_100 = tpu.memref_slice %arg7[%add3A_92, %dma_wait3A_99] : memref<16x128xi32, #tpu.memory_space<vmem>> -> memref<1x128xi32, #tpu.memory_space<vmem>>
          %dma_wait3A_101 = tpu.memref_squeeze %dma_wait3A_100 : memref<1x128xi32, #tpu.memory_space<vmem>> -> memref<128xi32, #tpu.memory_space<vmem>>
          %dma_wait3A_102 = arith.constant 0 : i32
          %dma_wait3A_103 = arith.constant 0 : i32
          %dma_wait3A_104 = tpu.memref_slice %arg10[%dma_wait3A_102, %dma_wait3A_103] : memref<10240x128xf32, #tpu.memory_space<vmem_shared>> -> memref<10240x128xf32, #tpu.memory_space<vmem_shared>>
          tpu.wait_indirect_dma semaphore(%run_scoped3A : memref<!tpu.dma_semaphore, #tpu.memory_space<semaphore_mem>>) src(%arg9 : memref<128x128xf32, #tpu.memory_space<vmem>>) dst(%dma_wait3A_104 : memref<10240x128xf32, #tpu.memory_space<vmem_shared>>)
          tpu.yield
        }) : () -> ()
      }
      %scan3A_61 = arith.constant 8 : i32
    }
    %scan3A_18 = arith.constant 5 : i32
    %barrier3A_19 = arith.constant 0 : index
    tpu.barrier barrier_id(%barrier3A_19)
    %mul3A_20 = arith.constant 640 : i32
    %mul3A_21 = arith.muli %arg1, %mul3A_20 : i32
    %mul3A_22 = arith.constant 640 : i32
    %mul3A_23 = arith.muli %arg1, %mul3A_22 : i32
    "tpu.region"() ({
      %run_scoped3A = tpu.sem_alloc : memref<!tpu.dma_semaphore, #tpu.memory_space<semaphore_mem>>
      %dma_start3A = arith.constant 0 : i32
      %dma_start3A_24 = tpu.memref_slice %arg5[%arg0, %mul3A_23, %dma_start3A] : memref<2x10240x128xf32, #tpu.memory_space<hbm>> -> memref<1x640x128xf32, #tpu.memory_space<hbm>>
      %dma_start3A_25 = tpu.memref_squeeze %dma_start3A_24 : memref<1x640x128xf32, #tpu.memory_space<hbm>> -> memref<640x128xf32, #tpu.memory_space<hbm>>
      %dma_start3A_26 = arith.constant 0 : i32
      %dma_start3A_27 = tpu.memref_slice %arg10[%mul3A_21, %dma_start3A_26] : memref<10240x128xf32, #tpu.memory_space<vmem_shared>> -> memref<640x128xf32, #tpu.memory_space<vmem_shared>>
      tpu.enqueue_dma source(%dma_start3A_27 : memref<640x128xf32, #tpu.memory_space<vmem_shared>>) target(%dma_start3A_25 : memref<640x128xf32, #tpu.memory_space<hbm>>) target_semaphore(%run_scoped3A : memref<!tpu.dma_semaphore, #tpu.memory_space<semaphore_mem>>)
      %dma_wait3A = arith.constant 0 : i32
      %dma_wait3A_28 = tpu.memref_slice %arg5[%arg0, %mul3A_23, %dma_wait3A] : memref<2x10240x128xf32, #tpu.memory_space<hbm>> -> memref<1x640x128xf32, #tpu.memory_space<hbm>>
      %dma_wait3A_29 = tpu.memref_squeeze %dma_wait3A_28 : memref<1x640x128xf32, #tpu.memory_space<hbm>> -> memref<640x128xf32, #tpu.memory_space<hbm>>
      %dma_wait3A_30 = arith.constant 0 : i32
      %dma_wait3A_31 = tpu.memref_slice %arg10[%mul3A_21, %dma_wait3A_30] : memref<10240x128xf32, #tpu.memory_space<vmem_shared>> -> memref<640x128xf32, #tpu.memory_space<vmem_shared>>
      tpu.wait_dma2 semaphore(%run_scoped3A : memref<!tpu.dma_semaphore, #tpu.memory_space<semaphore_mem>>) src(%dma_wait3A_31 : memref<640x128xf32, #tpu.memory_space<vmem_shared>>) dst(%dma_wait3A_29 : memref<640x128xf32, #tpu.memory_space<hbm>>)
      tpu.yield
    }) : () -> ()
    return
  }
}

module attributes {stable_mosaic.version = 14 : i64} {
  func.func @body(%arg0: i32, %arg1: memref<1024x128xf32, #tpu.memory_space<vmem>>, %arg2: memref<1024x128xf32, #tpu.memory_space<vmem>>, %arg3: memref<1024x128xf32, #tpu.memory_space<vmem>>, %arg4: memref<1024x128xf32, #tpu.memory_space<vmem>>, %arg5: memref<1024x1xf32, #tpu.memory_space<vmem>>) attributes {dimension_semantics = [#tpu.dimension_semantics<arbitrary>], iteration_bounds = array<i64: 10>, scalar_prefetch = 0 : i64, scratch_operands = 0 : i64, tpu.core_type = #tpu.core_type<tc>, window_params = [{transform_indices = @transform_0, window_bounds = array<i64: 1024, 128>}, {transform_indices = @transform_1, window_bounds = array<i64: 1024, 128>}, {transform_indices = @transform_2, window_bounds = array<i64: 1024, 128>}, {transform_indices = @transform_3, window_bounds = array<i64: 1024, 128>}, {transform_indices = @transform_4, window_bounds = array<i64: 1024, 1>}]} {
    %get3A = arith.constant 0 : index
    %get3A_0 = arith.constant 0 : index
    %get3A_1 = vector.load %arg1[%get3A, %get3A_0] : memref<1024x128xf32, #tpu.memory_space<vmem>>, vector<1024x1xf32>
    %get3A_2 = arith.constant 0 : index
    %get3A_3 = arith.constant 0 : index
    %get3A_4 = vector.load %arg2[%get3A_2, %get3A_3] : memref<1024x128xf32, #tpu.memory_space<vmem>>, vector<1024x1xf32>
    %add3A = arith.addf %get3A_1, %get3A_4 : vector<1024x1xf32>
    %add3A_5 = arith.constant 1.000000e+00 : f32
    %add3A_6 = vector.broadcast %add3A_5 : f32 to vector<1024x1xf32>
    %add3A_7 = arith.addf %add3A, %add3A_6 : vector<1024x1xf32>
    %rsqrt3A = math.rsqrt %add3A_7 : vector<1024x1xf32>
    %get3A_8 = arith.constant 0 : index
    %get3A_9 = arith.constant 0 : index
    %get3A_10 = vector.load %arg3[%get3A_8, %get3A_9] : memref<1024x128xf32, #tpu.memory_space<vmem>>, vector<1024x128xf32>
    %mul3A = vector.broadcast %rsqrt3A : vector<1024x1xf32> to vector<1024x128xf32>
    %mul3A_11 = arith.mulf %get3A_10, %mul3A : vector<1024x128xf32>
    %swap3A = arith.constant 0 : index
    %swap3A_12 = arith.constant 0 : index
    %swap3A_13 = vector.load %arg4[%swap3A, %swap3A_12] : memref<1024x128xf32, #tpu.memory_space<vmem>>, vector<1024x128xf32>
    tpu.vector_store %arg4[%swap3A, %swap3A_12], %mul3A_11 {strides = array<i32>} : memref<1024x128xf32, #tpu.memory_space<vmem>>, vector<1024x128xf32>,
    %swap3A_14 = arith.constant 0 : index
    %swap3A_15 = arith.constant 0 : index
    %swap3A_16 = vector.load %arg5[%swap3A_14, %swap3A_15] : memref<1024x1xf32, #tpu.memory_space<vmem>>, vector<1024x1xf32>
    tpu.vector_store %arg5[%swap3A_14, %swap3A_15], %rsqrt3A {strides = array<i32>} : memref<1024x1xf32, #tpu.memory_space<vmem>>, vector<1024x1xf32>,
    return
  }
  func.func @transform_0(%arg0: i32) -> (i32, i32) {
    %c0_i32 = arith.constant 0 : i32
    %c0_i32_0 = arith.constant 0 : i32
    return %arg0, %c0_i32 : i32, i32
  }
  func.func @transform_1(%arg0: i32) -> (i32, i32) {
    %c0_i32 = arith.constant 0 : i32
    %c0_i32_0 = arith.constant 0 : i32
    return %arg0, %c0_i32 : i32, i32
  }
  func.func @transform_2(%arg0: i32) -> (i32, i32) {
    %c0_i32 = arith.constant 0 : i32
    %c0_i32_0 = arith.constant 0 : i32
    return %arg0, %c0_i32 : i32, i32
  }
  func.func @transform_3(%arg0: i32) -> (i32, i32) {
    %c0_i32 = arith.constant 0 : i32
    %c0_i32_0 = arith.constant 0 : i32
    return %arg0, %c0_i32 : i32, i32
  }
  func.func @transform_4(%arg0: i32) -> (i32, i32) {
    %c0_i32 = arith.constant 0 : i32
    %c0_i32_0 = arith.constant 0 : i32
    return %arg0, %c0_i32 : i32, i32
  }
}

module attributes {stable_mosaic.version = 14 : i64} {
  func.func @body(%arg0: i32, %arg1: memref<1024x128xf32, #tpu.memory_space<vmem>>, %arg2: memref<1024x128xf32, #tpu.memory_space<vmem>>, %arg3: memref<1024x128xf32, #tpu.memory_space<vmem>>, %arg4: memref<1024x1xf32, #tpu.memory_space<vmem>>, %arg5: memref<1024x1xf32, #tpu.memory_space<vmem>>, %arg6: memref<128x256xf32, #tpu.memory_space<vmem>>, %arg7: memref<1x256xf32, #tpu.memory_space<vmem>>, %arg8: memref<128x64xf32, #tpu.memory_space<vmem>>, %arg9: memref<1x64xf32, #tpu.memory_space<vmem>>, %arg10: memref<64x8xf32, #tpu.memory_space<vmem>>, %arg11: memref<1x8xf32, #tpu.memory_space<vmem>>, %arg12: memref<1024x8xf32, #tpu.memory_space<vmem>>) attributes {dimension_semantics = [#tpu.dimension_semantics<arbitrary>], iteration_bounds = array<i64: 10>, scalar_prefetch = 0 : i64, scratch_operands = 0 : i64, tpu.core_type = #tpu.core_type<tc>, window_params = [{transform_indices = @transform_0, window_bounds = array<i64: 1024, 128>}, {transform_indices = @transform_1, window_bounds = array<i64: 1024, 128>}, {transform_indices = @transform_2, window_bounds = array<i64: 1024, 128>}, {transform_indices = @transform_3, window_bounds = array<i64: 1024, 1>}, {transform_indices = @transform_4, window_bounds = array<i64: 1024, 1>}, {pipeline_mode = #tpu.pipeline_mode<synchronous>, transform_indices = @transform_5, window_bounds = array<i64: 128, 256>}, {pipeline_mode = #tpu.pipeline_mode<synchronous>, transform_indices = @transform_6, window_bounds = array<i64: 1, 256>}, {pipeline_mode = #tpu.pipeline_mode<synchronous>, transform_indices = @transform_7, window_bounds = array<i64: 128, 64>}, {pipeline_mode = #tpu.pipeline_mode<synchronous>, transform_indices = @transform_8, window_bounds = array<i64: 1, 64>}, {pipeline_mode = #tpu.pipeline_mode<synchronous>, transform_indices = @transform_9, window_bounds = array<i64: 64, 8>}, {pipeline_mode = #tpu.pipeline_mode<synchronous>, transform_indices = @transform_10, window_bounds = array<i64: 1, 8>}, {transform_indices = @transform_11, window_bounds = array<i64: 1024, 8>}]} {
    %get3A = arith.constant 0 : index
    %get3A_0 = arith.constant 0 : index
    %get3A_1 = vector.load %arg4[%get3A, %get3A_0] : memref<1024x1xf32, #tpu.memory_space<vmem>>, vector<1024x1xf32>
    %get3A_2 = arith.constant 0 : index
    %get3A_3 = arith.constant 0 : index
    %get3A_4 = vector.load %arg1[%get3A_2, %get3A_3] : memref<1024x128xf32, #tpu.memory_space<vmem>>, vector<1024x128xf32>
    %get3A_5 = arith.constant 0 : index
    %get3A_6 = arith.constant 0 : index
    %get3A_7 = vector.load %arg2[%get3A_5, %get3A_6] : memref<1024x128xf32, #tpu.memory_space<vmem>>, vector<1024x128xf32>
    %add3A = arith.addf %get3A_4, %get3A_7 : vector<1024x128xf32>
    %get3A_8 = arith.constant 0 : index
    %get3A_9 = arith.constant 0 : index
    %get3A_10 = vector.load %arg3[%get3A_8, %get3A_9] : memref<1024x128xf32, #tpu.memory_space<vmem>>, vector<1024x128xf32>
    %add3A_11 = arith.addf %add3A, %get3A_10 : vector<1024x128xf32>
    %mul3A = vector.broadcast %get3A_1 : vector<1024x1xf32> to vector<1024x128xf32>
    %mul3A_12 = arith.mulf %mul3A, %add3A_11 : vector<1024x128xf32>
    %get3A_13 = arith.constant 0 : index
    %get3A_14 = arith.constant 0 : index
    %get3A_15 = vector.load %arg6[%get3A_13, %get3A_14] : memref<128x256xf32, #tpu.memory_space<vmem>>, vector<128x256xf32>
    %dot_general3A = arith.constant dense<0.000000e+00> : vector<1024x256xf32>
    %dot_general3A_16 = tpu.matmul %mul3A_12, %get3A_15, %dot_general3A {dimension_numbers = #tpu.dot_dimension_numbers<[1], [0], [0], [1], [0, 0, 1, 1], [], []>, transpose_lhs_hint = false} : vector<1024x128xf32>, vector<128x256xf32>, vector<1024x256xf32> -> vector<1024x256xf32>
    %get3A_17 = arith.constant 0 : index
    %get3A_18 = arith.constant 0 : index
    %get3A_19 = vector.load %arg7[%get3A_17, %get3A_18] : memref<1x256xf32, #tpu.memory_space<vmem>>, vector<1x256xf32>
    %add3A_20 = vector.broadcast %get3A_19 : vector<1x256xf32> to vector<1024x256xf32>
    %add3A_21 = arith.addf %dot_general3A_16, %add3A_20 : vector<1024x256xf32>
    %get3A_22 = arith.constant 0 : index
    %get3A_23 = arith.constant 0 : index
    %get3A_24 = vector.load %arg5[%get3A_22, %get3A_23] : memref<1024x1xf32, #tpu.memory_space<vmem>>, vector<1024x1xf32>
    %slice3A = vector.extract_strided_slice %add3A_21 {offsets = [0, 0], sizes = [1024, 128], strides = [1, 1]} : vector<1024x256xf32> to vector<1024x128xf32>
    %mul3A_25 = vector.broadcast %get3A_24 : vector<1024x1xf32> to vector<1024x128xf32>
    %mul3A_26 = arith.mulf %mul3A_25, %slice3A : vector<1024x128xf32>
    %sub3A = arith.constant 1.000000e+00 : f32
    %sub3A_27 = vector.broadcast %sub3A : f32 to vector<1024x1xf32>
    %sub3A_28 = arith.subf %sub3A_27, %get3A_24 : vector<1024x1xf32>
    %slice3A_29 = vector.extract_strided_slice %add3A_21 {offsets = [0, 128], sizes = [1024, 128], strides = [1, 1]} : vector<1024x256xf32> to vector<1024x128xf32>
    %mul3A_30 = vector.broadcast %sub3A_28 : vector<1024x1xf32> to vector<1024x128xf32>
    %mul3A_31 = arith.mulf %mul3A_30, %slice3A_29 : vector<1024x128xf32>
    %add3A_32 = arith.addf %mul3A_26, %mul3A_31 : vector<1024x128xf32>
    %max3A = arith.constant 0.000000e+00 : f32
    %max3A_33 = vector.broadcast %max3A : f32 to vector<1024x128xf32>
    %max3A_34 = arith.maximumf %add3A_32, %max3A_33 : vector<1024x128xf32>
    %get3A_35 = arith.constant 0 : index
    %get3A_36 = arith.constant 0 : index
    %get3A_37 = vector.load %arg8[%get3A_35, %get3A_36] : memref<128x64xf32, #tpu.memory_space<vmem>>, vector<128x64xf32>
    %dot_general3A_38 = arith.constant dense<0.000000e+00> : vector<1024x64xf32>
    %dot_general3A_39 = tpu.matmul %max3A_34, %get3A_37, %dot_general3A_38 {dimension_numbers = #tpu.dot_dimension_numbers<[1], [0], [0], [1], [0, 0, 1, 1], [], []>, transpose_lhs_hint = false} : vector<1024x128xf32>, vector<128x64xf32>, vector<1024x64xf32> -> vector<1024x64xf32>
    %get3A_40 = arith.constant 0 : index
    %get3A_41 = arith.constant 0 : index
    %get3A_42 = vector.load %arg9[%get3A_40, %get3A_41] : memref<1x64xf32, #tpu.memory_space<vmem>>, vector<1x64xf32>
    %add3A_43 = vector.broadcast %get3A_42 : vector<1x64xf32> to vector<1024x64xf32>
    %add3A_44 = arith.addf %dot_general3A_39, %add3A_43 : vector<1024x64xf32>
    %max3A_45 = arith.constant 0.000000e+00 : f32
    %max3A_46 = vector.broadcast %max3A_45 : f32 to vector<1024x64xf32>
    %max3A_47 = arith.maximumf %add3A_44, %max3A_46 : vector<1024x64xf32>
    %get3A_48 = arith.constant 0 : index
    %get3A_49 = arith.constant 0 : index
    %get3A_50 = vector.load %arg10[%get3A_48, %get3A_49] : memref<64x8xf32, #tpu.memory_space<vmem>>, vector<64x8xf32>
    %dot_general3A_51 = arith.constant dense<0.000000e+00> : vector<1024x8xf32>
    %dot_general3A_52 = tpu.matmul %max3A_47, %get3A_50, %dot_general3A_51 {dimension_numbers = #tpu.dot_dimension_numbers<[1], [0], [0], [1], [0, 0, 1, 1], [], []>, transpose_lhs_hint = false} : vector<1024x64xf32>, vector<64x8xf32>, vector<1024x8xf32> -> vector<1024x8xf32>
    %get3A_53 = arith.constant 0 : index
    %get3A_54 = arith.constant 0 : index
    %get3A_55 = vector.load %arg11[%get3A_53, %get3A_54] : memref<1x8xf32, #tpu.memory_space<vmem>>, vector<1x8xf32>
    %add3A_56 = vector.broadcast %get3A_55 : vector<1x8xf32> to vector<1024x8xf32>
    %add3A_57 = arith.addf %dot_general3A_52, %add3A_56 : vector<1024x8xf32>
    %swap3A = arith.constant 0 : index
    %swap3A_58 = arith.constant 0 : index
    %swap3A_59 = vector.load %arg12[%swap3A, %swap3A_58] : memref<1024x8xf32, #tpu.memory_space<vmem>>, vector<1024x8xf32>
    tpu.vector_store %arg12[%swap3A, %swap3A_58], %add3A_57 {strides = array<i32>} : memref<1024x8xf32, #tpu.memory_space<vmem>>, vector<1024x8xf32>,
    return
  }
  func.func @transform_0(%arg0: i32) -> (i32, i32) {
    %c0_i32 = arith.constant 0 : i32
    %c0_i32_0 = arith.constant 0 : i32
    return %arg0, %c0_i32 : i32, i32
  }
  func.func @transform_1(%arg0: i32) -> (i32, i32) {
    %c0_i32 = arith.constant 0 : i32
    %c0_i32_0 = arith.constant 0 : i32
    return %arg0, %c0_i32 : i32, i32
  }
  func.func @transform_2(%arg0: i32) -> (i32, i32) {
    %c0_i32 = arith.constant 0 : i32
    %c0_i32_0 = arith.constant 0 : i32
    return %arg0, %c0_i32 : i32, i32
  }
  func.func @transform_3(%arg0: i32) -> (i32, i32) {
    %c0_i32 = arith.constant 0 : i32
    %c0_i32_0 = arith.constant 0 : i32
    return %arg0, %c0_i32 : i32, i32
  }
  func.func @transform_4(%arg0: i32) -> (i32, i32) {
    %c0_i32 = arith.constant 0 : i32
    %c0_i32_0 = arith.constant 0 : i32
    return %arg0, %c0_i32 : i32, i32
  }
  func.func @transform_5(%arg0: i32) -> (i32, i32) {
    %c0_i32 = arith.constant 0 : i32
    %c0_i32_0 = arith.constant 0 : i32
    %c0_i32_1 = arith.constant 0 : i32
    return %c0_i32, %c0_i32_0 : i32, i32
  }
  func.func @transform_6(%arg0: i32) -> (i32, i32) {
    %c0_i32 = arith.constant 0 : i32
    %c0_i32_0 = arith.constant 0 : i32
    %c0_i32_1 = arith.constant 0 : i32
    return %c0_i32, %c0_i32_0 : i32, i32
  }
  func.func @transform_7(%arg0: i32) -> (i32, i32) {
    %c0_i32 = arith.constant 0 : i32
    %c0_i32_0 = arith.constant 0 : i32
    %c0_i32_1 = arith.constant 0 : i32
    return %c0_i32, %c0_i32_0 : i32, i32
  }
  func.func @transform_8(%arg0: i32) -> (i32, i32) {
    %c0_i32 = arith.constant 0 : i32
    %c0_i32_0 = arith.constant 0 : i32
    %c0_i32_1 = arith.constant 0 : i32
    return %c0_i32, %c0_i32_0 : i32, i32
  }
  func.func @transform_9(%arg0: i32) -> (i32, i32) {
    %c0_i32 = arith.constant 0 : i32
    %c0_i32_0 = arith.constant 0 : i32
    %c0_i32_1 = arith.constant 0 : i32
    return %c0_i32, %c0_i32_0 : i32, i32
  }
  func.func @transform_10(%arg0: i32) -> (i32, i32) {
    %c0_i32 = arith.constant 0 : i32
    %c0_i32_0 = arith.constant 0 : i32
    %c0_i32_1 = arith.constant 0 : i32
    return %c0_i32, %c0_i32_0 : i32, i32
  }
  func.func @transform_11(%arg0: i32) -> (i32, i32) {
    %c0_i32 = arith.constant 0 : i32
    %c0_i32_0 = arith.constant 0 : i32
    return %arg0, %c0_i32 : i32, i32
  }
}

</mosaic_0001>

<sc_bundles>
// kernel: kernel.6.cloned.1.call-start
scs
__scs_entry_jumppad:
0x0: {  	(pc) =	sbr.rel $0x88, $3  }
0x1: {  	(tag) =	ssettag $0x0;
	lr =	simm.s32 $0x1  }
0x2: {  	[smem:$0x3F96] =	sst lr;
	_ =	strace $0xD0000000  }
0x3: {  	_ = 	snop  }
0x4: {  	_ = 	snop  }
0x5: {  	_ = 	snop  }
0x6: {  	_ = 	snop  }
0x7: {  	_ = 	snop  }
__scs_overlays_trampoline_lowered:
0x8: {  	[smem:$0x3FA5] =	sst s0  }
0x9: {  	[smem:$0x3FA6] =	sst s1  }
0xa: {  	[smem:$0x3FA7] =	sst s2  }
0xb: {  	[smem:$0x3FA8] =	sst s3  }
0xc: {  	[smem:$0x3FA9] =	sst s4  }
0xd: {  	[smem:$0x3FAA] =	sst s5  }
0xe: {  	[smem:$0x3FAB] =	sst s6  }
0xf: {  	[smem:$0x3FAC] =	sst s7  }
0x10: {  	[smem:$0x3FAD] =	sst s8  }
0x11: {  	[smem:$0x3FAE] =	sst s9;
	s0 =	simm.s32 @!p0 $0x0  }
0x12: {  	s1 =	sld [smem:$0x3F94];
	s0 =	simm.s32 @p0 $0x1  }
0x13: {  	[smem:$0x3FAF] =	sst s0;
	s0 =	simm.s32 @!p1 $0x0  }
0x14: {  	s2 =	sld [smem:$0x3F93];
	s0 =	simm.s32 @p1 $0x1  }
0x15: {  	[smem:$0x3FB0] =	sst s0;
	s0 =	simm.s32 @!p2 $0x0  }
0x16: {  	s3 =	sld [smem:$0x3FDB];
	s0 =	simm.s32 @p2 $0x1  }
0x17: {  	s4 =	simm.s32 $0x1BF5;
	[smem:$0x3FB2] =	sst s0  }
0x18: {  	s0 =	sld [smem:$0x3F95];
	_ =	swait.ge [sflag:s4], $0x0  }
0x19: {  	s7 =	sld [smem:$0x3F96]  }
0x1a: {  	s8 =	sadd.s32 $0xFFFFE003, lr  }
0x1b: {  	s9 =	sadd.s32 $0xFFFFFEF7, lr;
	s5 =	simm.s32 $0xFFFFFFFF;
	p2 =	slt.u32 s8, $0xFFFFF086  }
0x1c: {  	p1 =	slt.u32 s9, $0xF7A;
	s5 =	simm.s32 @!p2 $0x0  }
0x1d: {  	s5 =	simm.s32 @p1 $0x1;
	p0 =	seq.s32 s7, s2  }
0x1e: {  	s7 =	smul.u32 @!p0 $0xF7A, s2;
	p2 =	seq.s32 @!p0 s5, $0x0  }
0x1f: {  	s9 =	smul.u32 $0xF7A, s1;
	s8 =	simm.s32 @!p0 $0x1BF5;
	p2 =	por !p2, p0  }
0x20: {  	[sflag:s8] =	ssyncset.s32 @!p0 $0xFFFFF086;
	s6 =	sadd.s32 @!p0 s3, s7;
	s7 =	simm.s32 @!p0 $0x108  }
0x21: {  	s3 =	sadd.s32 s3, s9;
	s6 =	sadd.s32 @!p0 $0x88, s6;
	s7 =	simm.s32 @p2 $0x1082  }
0x22: {  	[simem:s7], [sflag:s8] =	dma.local @!p0 [hbm:s6], $0xF7A  }
0x23: {  	s9 =	sor.u32 $0xD0000000, s2;
	s6 =	simm.s32 $0x108;
	_ =	swait.ge @!p0 [sflag:s8], $0x0  }
0x24: {  	s3 =	sadd.s32 $0x88, s3;
	s6 =	simm.s32 @!p1 $0x1082;
	[sflag:s4] =	ssyncset.s32 $0xFFFFF086  }
0x25: {  	[simem:s6], [sflag:s4] =	dma.local [hbm:s3], $0xF7A  }
0x26: {  	[smem:$0x3F96] =	sst s1;
	(tag) =	ssettag s2;
	_ =	strace s9  }
0x27: {  	s1 =	sld [smem:$0x3FA6]  }
0x28: {  	s2 =	sld [smem:$0x3FA7]  }
0x29: {  	s4 =	sld [smem:$0x3FA9]  }
0x2a: {  	p0 =	seq.s32 s5, $0x0;
	s5 =	sld [smem:$0x3FAA]  }
0x2b: {  	s6 =	sld [smem:$0x3FAB]  }
0x2c: {  	s7 =	sld [smem:$0x3FAC]  }
0x2d: {  	s3 =	simm.s32 $0x108;
	s8 =	sld [smem:$0x3FAD]  }
0x2e: {  	s3 =	simm.s32 @!p0 $0x1082;
	s9 =	sld [smem:$0x3FAE]  }
0x2f: {  	lr =	sadd.s32 s0, s3;
	s0 =	sld [smem:$0x3FA5]  }
0x30: {  	s3 =	sld [smem:$0x3FA8]  }
0x31: {  	[smem:$0x3FB1] =	sst s10  }
0x32: {  	s10 =	sld [smem:$0x3FAF];
	_ =	sdelay $0x3  }
0x33: {  	p0 =	seq.s32 s10, $0x1;
	s10 =	sld [smem:$0x3FB1];
	_ =	sdelay $0x3  }
0x34: {  	[smem:$0x3FB1] =	sst s10  }
0x35: {  	s10 =	sld [smem:$0x3FB0];
	_ =	sdelay $0x3  }
0x36: {  	p1 =	seq.s32 s10, $0x1;
	s10 =	sld [smem:$0x3FB1];
	_ =	sdelay $0x3  }
0x37: {  	[smem:$0x3FB1] =	sst s10  }
0x38: {  	s10 =	sld [smem:$0x3FB2]  }
0x39: {  	_ = 	snop;
	(pc) =	sbr.ind lr, $3  }
0x3a: {  	_ = 	snop  }
0x3b: {  	_ = 	snop  }
0x3c: {  	p2 =	seq.s32 s10, $0x1;
	s10 =	sld [smem:$0x3FB1]  }
0x3d: {  	_ =	shalt  }
0x3e: {  	_ =	shalt  }
0x3f: {  	_ =	shalt  }
0x40: {  	_ =	shalt  }
0x41: {  	_ =	shalt  }
0x42: {  	_ =	shalt  }
0x43: {  	_ =	shalt  }
0x44: {  	_ =	shalt  }
0x45: {  	_ =	shalt  }
0x46: {  	_ =	shalt  }
0x47: {  	_ =	shalt  }
0x48: {  	_ =	shalt  }
0x49: {  	_ =	shalt  }
0x4a: {  	_ =	shalt  }
0x4b: {  	_ =	shalt  }
0x4c: {  	_ =	shalt  }
0x4d: {  	_ =	shalt  }
0x4e: {  	_ =	shalt  }
0x4f: {  	_ =	shalt  }
0x50: {  	_ =	shalt  }
0x51: {  	_ =	shalt  }
0x52: {  	_ =	shalt  }
0x53: {  	_ =	shalt  }
0x54: {  	_ =	shalt  }
0x55: {  	_ =	shalt  }
0x56: {  	_ =	shalt  }
0x57: {  	_ =	shalt  }
0x58: {  	_ =	shalt  }
0x59: {  	_ =	shalt  }
0x5a: {  	_ =	shalt  }
0x5b: {  	_ =	shalt  }
0x5c: {  	_ =	shalt  }
0x5d: {  	_ =	shalt  }
0x5e: {  	_ =	shalt  }
0x5f: {  	_ =	shalt  }
0x60: {  	_ =	shalt  }
0x61: {  	_ =	shalt  }
0x62: {  	_ =	shalt  }
0x63: {  	_ =	shalt  }
0x64: {  	_ =	shalt  }
0x65: {  	_ =	shalt  }
0x66: {  	_ =	shalt  }
0x67: {  	_ =	shalt  }
0x68: {  	_ =	shalt  }
0x69: {  	_ =	shalt  }
0x6a: {  	_ =	shalt  }
0x6b: {  	_ =	shalt  }
0x6c: {  	_ =	shalt  }
0x6d: {  	_ =	shalt  }
0x6e: {  	_ =	shalt  }
0x6f: {  	_ =	shalt  }
0x70: {  	_ =	shalt  }
0x71: {  	_ =	shalt  }
0x72: {  	_ =	shalt  }
0x73: {  	_ =	shalt  }
0x74: {  	_ =	shalt  }
0x75: {  	_ =	shalt  }
0x76: {  	_ =	shalt  }
0x77: {  	_ =	shalt  }
0x78: {  	_ =	shalt  }
0x79: {  	_ =	shalt  }
0x7a: {  	_ =	shalt  }
0x7b: {  	_ =	shalt  }
0x7c: {  	_ =	shalt  }
0x7d: {  	_ =	shalt  }
0x7e: {  	_ =	shalt  }
0x7f: {  	_ =	shalt  }
0x80: {  	_ =	shalt  }
0x81: {  	_ =	shalt  }
0x82: {  	_ =	shalt  }
0x83: {  	_ =	shalt  }
0x84: {  	_ =	shalt  }
0x85: {  	_ =	shalt  }
0x86: {  	_ =	shalt  }
0x87: {  	_ =	shalt  }
.Lfunc_end0:
.L_simem_size_0:
called_computation_lowered:
.L_overlay_start_0:
0x88: {  	s2 =	sld [smem:$0x3FD9]  }
0x89: {  	s3 =	sld [smem:$0x3FFE];
	_ =	sdelay $0x1  }
0x8a: {  	s1 =	srdreg.scid  }
0x8b: {  	s0 =	sand.u32 $0x1, s1  }
0x8c: {  	s16 =	sshll.u32 s0, $0xA;
	s2 =	sadd.s32 s3, s2  }
0x8d: {  	s2 =	sadd.s32 s2, s16  }
0x8e: {  	[smem:$0x3FBD] =	sst s2  }
0x8f: {  	_ = 	snop  }
0x90: {  	(tm) =	ssettm $0x1  }
0x91: {  	s17 =	sld [smem:$0x3FFB];
	_ =	sdelay $0x3  }
0x92: {  	_ =	strace s17  }
0x93: {  	s2 =	sld [smem:$0x3FFC];
	_ =	sdelay $0x3  }
0x94: {  	_ =	strace s2  }
0x95: {  	s2 =	sld [smem:$0x3FFD];
	_ =	sdelay $0x3  }
0x96: {  	_ =	strace s2  }
0x97: {  	_ =	strace $0x8FFFFFFF  }
0x98: {  	s18 =	sld [smem:$0x3FDB];
	_ =	sdelay $0x1  }
0x99: {  	s19 =	simm.s32 $_scs_section_size  }
0x9a: {  	s4 =	simm.s32 $_size__tile_overlayer_lowered;
	s5 =	simm.s32 $_tile_overlayer_lowered  }
0x9b: {  	s22 =	simm.s32 $0x1BFF;
	s21 =	sshll.u32 s5, $0x1;
	s2 =	sadd.s32 s19, s18  }
0x9c: {  	s6 =	simm.s32 $0x0;
	s20 =	sshll.u32 s4, $0x1;
	s4 =	sadd.s32 s21, s2  }
0x9d: {  	[timem:s6], [sflag:s22] =	dma.local [hbm:s4], s20  }
0x9e: {  	_ =	swait.ge [sflag:s22], s20  }
0x9f: {  	s3 =	ssub.s32 $0x0, s20;
	[sflag:s22] =	ssyncset.done $0x0  }
0xa0: {  	[sflag:s22] =	ssyncadd.s32 s3;
	_ =	sdelay $0x1  }
0xa1: {  	s23 =	simm.s32 $0x1B8B  }
0xa2: {  	_ =	swait.ge [sflag:s23], $0x1  }
0xa3: {  	[sflag:s23] =	ssyncset.done $0x0  }
0xa4: {  	s25 =	simm.s32 $0x1B8E;
	s24 =	sld [smem:$0x3FFE];
	[sflag:s23] =	ssyncadd.s32 $0xFFFFFFFF  }
0xa5: {  	s26 =	simm.s32 $execute0_lowered;
	[smem:$0x3FD2] =	sst s25  }
0xa6: {  	s4 =	sshll.u32 s26, $0x1;
	_ =	strace $0x80000046;
	[dreg:$0x1] =	wrdreg $0xFFFFFFFF  }
0xa7: {  	s28 =	simm.s32 $_size_execute0_lowered;
	s2 =	sadd.s32 s2, s4;
	[dreg:$0x0] =	wrdreg $0x0  }
0xa8: {  	s4 =	sshll.u32 s28, $0x1;
	[dreg:$0x2] =	wrdreg s2  }
0xa9: {  	[dreg:$0x3] =	wrdreg s4  }
0xaa: {  	[dreg:$0x4] =	wrdreg $0xC0  }
0xab: {  	_ =	task [dreg:s6], $0x5FFFF  }
0xac: {  	[dreg:$0x1] =	wrdreg $0xFFFFFFFF  }
0xad: {  	[dreg:$0x0] =	wrdreg $0x60  }
0xae: {  	[dreg:$0x2] =	wrdreg s24  }
0xaf: {  	[dreg:$0x3] =	wrdreg $0x68000  }
0xb0: {  	[dreg:$0x4] =	wrdreg $0x9  }
0xb1: {  	_ =	task.clear_ibuf [dreg:s6], $0x5FFFF;
	_ =	strace $0x90000046  }
0xb2: {  	s29 =	simm.s32 $0x9;
	_ =	strace $0x80000048  }
0xb3: {  	_ =	swait.ge [sflag:s29], $0x1  }
0xb4: {  	[sflag:s29] =	ssyncadd.s32 $0xFFFFFFFF  }
0xb5: {  	_ =	strace $0x90000048  }
0xb6: {  	_ =	sfence  }
0xb7: {  	s30 =	sld [smem:$0x0];
	_ =	sdelay $0x2  }
0xb8: {  	s31 =	sshll.u32 s1, $0xD;
	s1 =	sshrl.u32 s1, $0x2  }
0xb9: {  	s3 =	sand.u32 $0x4000, s31;
	s1 =	sadd.s32 s1, s30  }
0xba: {  	s0 =	sor.u32 s3, s0;
	s1 =	sshll.u32 s1, $0x11  }
0xbb: {  	s0 =	sor.u32 s1, s0  }
0xbc: {  	s0 =	sadd.s32 $0x8F2B, s0  }
0xbd: {  	[sflag:s0] =	ssyncadd.remote.s32 $0x1  }
0xbe: {  	_ =	sfence.sel $0xFFFF  }
0xbf: {  	[dreg:$0x0] =	wrdreg $0xFFFFFFFF;
	(pc) =	sbr.abs _section_cstart, $3  }
0xc0: {  	[dreg:$0x1] =	wrdreg $0xFFFFFFFF  }
0xc1: {  	_ =	task.clear_ibuf [dreg:s6], $0x2FFFF;
	_ =	strace $0x9FFFFFFF  }
0xc2: {  	(tm) =	ssettm $0x7FFFFFFF  }
0xc3: {  	_ =	shalt  }
tec
execute0_lowered:
.L_overlay_start_1:
0x0: {  	(tag) =	ssettag $0x1  }
0x1: {  	s4 =	rddreg [dreg:$0x0]  }
0x2: {  	s2 =	rddreg [dreg:$0x1];
	s1 =	srdreg.scid  }
0x3: {  	s0 =	rddreg [dreg:$0x2];
	s3 =	simm.s32 $0x0;
	s12 =	simm.s32 $0x2800  }
0x4: {  	s13 =	simm.s32 $0x3;
	s14 =	simm.s32 $0x1;
	s15 =	simm.s32 $0x80  }
0x5: {  	s16 =	simm.s32 $0x100;
	s17 =	simm.s32 $0x180;
	s18 =	simm.s32 $0x2  }
0x6: {  	s21 =	simm.s32 $0x0;
	s5 =	sand.u32 $0x1, s1;
	s1 =	stileid.u32  }
0x7: {  	[smem:$0x7FF] =	sst s3;
	s6 =	smul.u32 $0x140000, s5;
	s7 =	sshll.u32 s5, $0x4  }
0x8: {  	s8 =	smul.u32 $0x14000, s1;
	_ =	strace $0x80000047;
	s5 =	ssub.s32 $0x2, s5  }
0x9: {  	s29 =	smul.u32 $0x50000, s1;
	s19 =	sshll.u32 s1, $0x6;
	s7 =	sor.u32 s1, s7  }
0xa: {  	s30 =	sshrl.u32 s5, $0x1;
	s19 =	sor.u32 $0x1C03, s19;
	s7 =	smul.u32 $0x500, s7  }
0xb: {  	s6 =	sadd.s32 s8, s6;
	s9 =	ssub.s32 s5, s30;
	s31 =	sshrl.u32 s29, $0x2  }
0xc: {  	s6 =	sshrl.u32 s6, $0x3;
	s5 =	sadd.s32 s31, s2;
	s7 =	sadd.s32 s7, s4  }
0xd: {  	s6 =	sadd.s32 s6, s4;
	s8 =	sadd.s32 $0x4000, s5;
	s10 =	sadd.s32 $0xC000, s5  }
0xe: {  	s11 =	sadd.s32 $0x10000, s5;
	s20 =	sshrl.u32 s5, $0x3;
	s4 =	sadd.s32 $0x2600, s7  }
0xf: {  	v0 =	vimm.f32 $0.0e+00;
	v1 =	vimm.f32 $1.000000000e+00;
	s6 =	sadd.s32 $0xC600, s6;
	s7 =	smax.u32 s9, $0x1;
	s9 =	sadd.s32 $0x8000, s5  }
.LBB2_1:
0x10: {  	[tilespmem:s3], [sflag:$0x1] =	stream.linear.gather [hbm4b:s4+s3], $0x2800, $0x38;
	[tilespmem:$0x1A800] =	vst v63  }
0x11: {  	s22 =	sand.u32 $0xFE00, s3  }
0x12: {  	s23 =	sand.u32 $0x70, s3;
	s24 =	sshrl.u32 s22, $0x2  }
0x13: {  	s22 =	simm.s32 $0x40;
	s24 =	sor.u32 s23, s24;
	s23 =	simm.s32 $0x0  }
.LBB2_2:
0x14: {  	p0 =	sne.s32 s22, $0xFFC0  }
0x15: {  	[tilespmem:s24+$0x2800] =	vst v0;
	s23 =	sadd.s32 $0x10, s23;
	s24 =	smov.u32 s22;
	s22 =	sadd.s32 $0x40, s22  }
.Ltmp0:
0x16: {  	(pc) =	sbr.rel @p0 .LBB2_2-.Ltmp0, $4  }
0x17: {  	_ = 	snop  }
0x18: {  	s24 =	sand.u32 $0xFE00, s24  }
0x19: {  	s25 =	sand.u32 $0x70, s23;
	s24 =	sshrl.u32 s24, $0x2  }
0x1a: {  	s24 =	sor.u32 s25, s24  }
0x1b: {  	[tilespmem:s24+$0x2800] =	vst v0  }
0x1c: {  	[spmem:s5] =	stream.linear.scatter [tilespmem:s12], [sflag:$0x3], $0x4000, $0x38;
	[tilespmem:$0x1A800] =	vst v63  }
0x1d: {  	_ =	swait.ge [sflag:s13], $0x4000  }
0x1e: {  	[sflag:s13] =	ssyncset.done $0x0  }
0x1f: {  	[sflag:s13] =	ssyncadd.s32 $0xFFFFC000  }
0x20: {  	[spmem:s8] =	stream.linear.scatter [tilespmem:s12], [sflag:$0x3], $0x4000, $0x38;
	[tilespmem:$0x1A800] =	vst v63  }
0x21: {  	_ =	swait.ge [sflag:s13], $0x4000  }
0x22: {  	[sflag:s13] =	ssyncset.done $0x0  }
0x23: {  	[sflag:s13] =	ssyncadd.s32 $0xFFFFC000  }
0x24: {  	[spmem:s9] =	stream.linear.scatter [tilespmem:s12], [sflag:$0x3], $0x4000, $0x38;
	[tilespmem:$0x1A800] =	vst v63  }
0x25: {  	_ =	swait.ge [sflag:s13], $0x4000  }
0x26: {  	[sflag:s13] =	ssyncset.done $0x0  }
0x27: {  	[sflag:s13] =	ssyncadd.s32 $0xFFFFC000  }
0x28: {  	[spmem:s10] =	stream.linear.scatter [tilespmem:s12], [sflag:$0x3], $0x4000, $0x38;
	[tilespmem:$0x1A800] =	vst v63  }
0x29: {  	_ =	swait.ge [sflag:s13], $0x4000  }
0x2a: {  	[sflag:s13] =	ssyncset.done $0x0  }
0x2b: {  	s22 =	simm.s32 $0x0;
	[sflag:s13] =	ssyncadd.s32 $0xFFFFC000  }
0x2c: {  	[spmem:s11] =	stream.linear.scatter [tilespmem:s12], [sflag:$0x3], $0x4000, $0x38;
	[tilespmem:$0x1A800] =	vst v63  }
0x2d: {  	s23 =	sand.u32 $0xFE00, s22;
	_ =	swait.ge [sflag:s13], $0x4000  }
0x2e: {  	s31 =	sand.u32 $0x70, s22;
	s25 =	sshrl.u32 s23, $0x2;
	[sflag:s13] =	ssyncset.done $0x0  }
0x2f: {  	s23 =	simm.s32 $0x40;
	s24 =	sor.u32 s31, s25;
	[sflag:s13] =	ssyncadd.s32 $0xFFFFC000  }
.LBB2_4:
0x30: {  	p0 =	sne.s32 s23, $0xFFC0  }
0x31: {  	[tilespmem:s24+$0x2800] =	vst v1;
	s22 =	sadd.s32 $0x10, s22;
	s24 =	smov.u32 s23;
	s23 =	sadd.s32 $0x40, s23  }
.Ltmp1:
0x32: {  	(pc) =	sbr.rel @p0 .LBB2_4-.Ltmp1, $4  }
0x33: {  	_ = 	snop  }
0x34: {  	s24 =	sand.u32 $0xFE00, s24  }
0x35: {  	s25 =	sand.u32 $0x70, s22;
	s24 =	sshrl.u32 s24, $0x2  }
0x36: {  	s24 =	sor.u32 s25, s24  }
0x37: {  	[tilespmem:s24+$0x2800] =	vst v1  }
0x38: {  	_ =	swait.ge [sflag:s14], $0x2800  }
0x39: {  	[sflag:s14] =	ssyncset.done $0x0  }
0x3a: {  	[sflag:s14] =	ssyncadd.s32 $0xFFFFD800  }
0x3b: {  	[bflag:$0x0] =	sbarrier.arrive $0xFFFF  }
0x3c: {  	[spmem:s2] =	stream.indirect.scatter.add.f32 [tilespmem:s12], [sflag:$0x2], $0x80, s3, s15, $0xb8;
	[tilespmem:$0x1A800] =	vst v63  }
0x3d: {  	_ = 	snop  }
0x3e: {  	[spmem:s2] =	stream.indirect.scatter.add.f32 [tilespmem:s12], [sflag:$0x2], $0x80, s15, s15, $0xb8;
	[tilespmem:$0x1A800] =	vst v63  }
0x3f: {  	_ = 	snop  }
0x40: {  	[spmem:s2] =	stream.indirect.scatter.add.f32 [tilespmem:s12], [sflag:$0x2], $0x80, s16, s15, $0xb8;
	[tilespmem:$0x1A800] =	vst v63  }
0x41: {  	_ = 	snop  }
0x42: {  	[spmem:s2] =	stream.indirect.scatter.add.f32 [tilespmem:s12], [sflag:$0x2], $0x80, s17, s15, $0xb8;
	[tilespmem:$0x1A800] =	vst v63  }
0x43: {  	s22 =	simm.s32 $0x200  }
0x44: {  	[spmem:s2] =	stream.indirect.scatter.add.f32 [tilespmem:s12], [sflag:$0x2], $0x80, s22, s15, $0xb8;
	[tilespmem:$0x1A800] =	vst v63  }
0x45: {  	_ =	swait.ge [sflag:s18], $0x4000  }
0x46: {  	s22 =	simm.s32 $0xA00;
	[sflag:s18] =	ssyncset.done $0x0  }
.LBB2_6:
0x47: {  	s23 =	sshra.s32 s22, $0x2;
	[sflag:s18] =	ssyncadd.s32 $0xFFFFC000;
	p0 =	sne.s32 s22, $0x9E00  }
0x48: {  	[spmem:s2] =	stream.indirect.scatter.add.f32 [tilespmem:s12], [sflag:$0x2], $0x80, s23, s15, $0xb8;
	[tilespmem:$0x1A800] =	vst v63  }
.Ltmp2:
0x49: {  	_ = 	snop;
	(pc) =	sbr.rel @p0 .LBB2_6-.Ltmp2, $4  }
0x4a: {  	_ = 	snop  }
0x4b: {  	s22 =	sadd.s32 $0x200, s22  }
0x4c: {  	_ =	swait.ge [sflag:s18], $0x4000  }
0x4d: {  	[sflag:s18] =	ssyncset.done $0x0  }
0x4e: {  	[sflag:s18] =	ssyncadd.s32 $0xFFFFC000  }
0x4f: {  	_ =	swait.ge [sflag:s18], $0x4000  }
0x50: {  	[sflag:s18] =	ssyncset.done $0x0  }
0x51: {  	[sflag:s18] =	ssyncadd.s32 $0xFFFFC000  }
0x52: {  	_ =	swait.ge [sflag:s18], $0x4000  }
0x53: {  	[sflag:s18] =	ssyncset.done $0x0  }
0x54: {  	[sflag:s18] =	ssyncadd.s32 $0xFFFFC000  }
0x55: {  	_ =	swait.ge [sflag:s18], $0x4000  }
0x56: {  	[sflag:s18] =	ssyncset.done $0x0  }
0x57: {  	[sflag:s18] =	ssyncadd.s32 $0xFFFFC000  }
0x58: {  	_ =	swait.ge [sflag:s18], $0x4000  }
0x59: {  	s21 =	sadd.s32 $0x1, s21;
	[sflag:s18] =	ssyncset.done $0x0  }
0x5a: {  	p0 =	sne.s32 s21, s7;
	[sflag:s18] =	ssyncadd.s32 $0xFFFFC000  }
.Ltmp3:
0x5b: {  	[bflag:$0x0] =	sbarrier.arrive $0xFFFF;
	(pc) =	sbr.rel @p0 .LBB2_1-.Ltmp3, $4  }
0x5c: {  	[hbm:s6], [sflag:s19] =	dma.local [spmem:s20], $0x2800  }
0x5d: {  	_ =	swait.ge [sflag:s13], $0x2800  }
0x5e: {  	[sflag:s13] =	ssyncset.done $0x0  }
0x5f: {  	[sflag:s13] =	ssyncadd.s32 $0xFFFFD800  }
0x60: {  	_ =	sfence.sel $0x180000  }
0x61: {  	[bflag:$0x0] =	sbarrier.arrive $0xFFFF  }
0x62: {  	p0 =	sne.s32 s1, $0x0;
	_ =	strace $0x90000047  }
0x63: {  	s0 =	sadd.s32 @!p0 $0x100000, s0;
	[bflag:$0x2] =	sbarrier.arrive $0xFFFF  }
0x64: {  	[sflag:s0] =	ssyncadd.tile.s32 @!p0 $0x1;
	_ =	shalt  }
.Lfunc_end2:
_tile_overlayer_lowered:
.L_overlay_start_2:
0x65: {  	(tag) =	ssettag $0x2  }
0x66: {  	s0 =	rddreg [dreg:$0x0];
	s2 =	stileid.u32  }
0x67: {  	s1 =	rddreg [dreg:$0x1];
	p0 =	sne.s32 s2, $0x0  }
0x68: {  	s3 =	rddreg [dreg:$0x2];
	[bflag:$0x3] =	sbarrier.arrive $0xFFFF;
	s2 =	simm.s32 @!p0 $0x1C03  }
0x69: {  	[timem:s3], [sflag:s2] =	dma.local @!p0 [hbm:s0], s1  }
0x6a: {  	s0 =	simm.s32 @!p0 $0x3  }
0x6b: {  	_ =	swait.ge @!p0 [sflag:s0], s1  }
0x6c: {  	s1 =	ssub.s32 @!p0 $0x0, s1;
	[sflag:s0] =	ssyncset.done @!p0 $0x0  }
0x6d: {  	[sflag:s0] =	ssyncadd.s32 @!p0 s1  }
0x6e: {  	[bflag:$0x3] =	sbarrier.arrive $0xFFFF  }
0x6f: {  	_ =	shalt  }

// kernel: kernel.9.cloned.1.call-start
scs
__scs_entry_jumppad:
0x0: {  	(pc) =	sbr.rel $0x88, $3  }
0x1: {  	(tag) =	ssettag $0x0;
	lr =	simm.s32 $0x1  }
0x2: {  	[smem:$0x3F96] =	sst lr;
	_ =	strace $0xD0000000  }
0x3: {  	_ = 	snop  }
0x4: {  	_ = 	snop  }
0x5: {  	_ = 	snop  }
0x6: {  	_ = 	snop  }
0x7: {  	_ = 	snop  }
__scs_overlays_trampoline_lowered:
0x8: {  	[smem:$0x3FA5] =	sst s0  }
0x9: {  	[smem:$0x3FA6] =	sst s1  }
0xa: {  	[smem:$0x3FA7] =	sst s2  }
0xb: {  	[smem:$0x3FA8] =	sst s3  }
0xc: {  	[smem:$0x3FA9] =	sst s4  }
0xd: {  	[smem:$0x3FAA] =	sst s5  }
0xe: {  	[smem:$0x3FAB] =	sst s6  }
0xf: {  	[smem:$0x3FAC] =	sst s7  }
0x10: {  	[smem:$0x3FAD] =	sst s8  }
0x11: {  	[smem:$0x3FAE] =	sst s9;
	s0 =	simm.s32 @!p0 $0x0  }
0x12: {  	s1 =	sld [smem:$0x3F94];
	s0 =	simm.s32 @p0 $0x1  }
0x13: {  	[smem:$0x3FAF] =	sst s0;
	s0 =	simm.s32 @!p1 $0x0  }
0x14: {  	s2 =	sld [smem:$0x3F93];
	s0 =	simm.s32 @p1 $0x1  }
0x15: {  	[smem:$0x3FB0] =	sst s0;
	s0 =	simm.s32 @!p2 $0x0  }
0x16: {  	s3 =	sld [smem:$0x3FDB];
	s0 =	simm.s32 @p2 $0x1  }
0x17: {  	s4 =	simm.s32 $0x1BF5;
	[smem:$0x3FB2] =	sst s0  }
0x18: {  	s0 =	sld [smem:$0x3F95];
	_ =	swait.ge [sflag:s4], $0x0  }
0x19: {  	s7 =	sld [smem:$0x3F96]  }
0x1a: {  	s8 =	sadd.s32 $0xFFFFE003, lr  }
0x1b: {  	s9 =	sadd.s32 $0xFFFFFEF7, lr;
	s5 =	simm.s32 $0xFFFFFFFF;
	p2 =	slt.u32 s8, $0xFFFFF086  }
0x1c: {  	p1 =	slt.u32 s9, $0xF7A;
	s5 =	simm.s32 @!p2 $0x0  }
0x1d: {  	s5 =	simm.s32 @p1 $0x1;
	p0 =	seq.s32 s7, s2  }
0x1e: {  	s7 =	smul.u32 @!p0 $0xF7A, s2;
	p2 =	seq.s32 @!p0 s5, $0x0  }
0x1f: {  	s9 =	smul.u32 $0xF7A, s1;
	s8 =	simm.s32 @!p0 $0x1BF5;
	p2 =	por !p2, p0  }
0x20: {  	[sflag:s8] =	ssyncset.s32 @!p0 $0xFFFFF086;
	s6 =	sadd.s32 @!p0 s3, s7;
	s7 =	simm.s32 @!p0 $0x108  }
0x21: {  	s3 =	sadd.s32 s3, s9;
	s6 =	sadd.s32 @!p0 $0x88, s6;
	s7 =	simm.s32 @p2 $0x1082  }
0x22: {  	[simem:s7], [sflag:s8] =	dma.local @!p0 [hbm:s6], $0xF7A  }
0x23: {  	s9 =	sor.u32 $0xD0000000, s2;
	s6 =	simm.s32 $0x108;
	_ =	swait.ge @!p0 [sflag:s8], $0x0  }
0x24: {  	s3 =	sadd.s32 $0x88, s3;
	s6 =	simm.s32 @!p1 $0x1082;
	[sflag:s4] =	ssyncset.s32 $0xFFFFF086  }
0x25: {  	[simem:s6], [sflag:s4] =	dma.local [hbm:s3], $0xF7A  }
0x26: {  	[smem:$0x3F96] =	sst s1;
	(tag) =	ssettag s2;
	_ =	strace s9  }
0x27: {  	s1 =	sld [smem:$0x3FA6]  }
0x28: {  	s2 =	sld [smem:$0x3FA7]  }
0x29: {  	s4 =	sld [smem:$0x3FA9]  }
0x2a: {  	p0 =	seq.s32 s5, $0x0;
	s5 =	sld [smem:$0x3FAA]  }
0x2b: {  	s6 =	sld [smem:$0x3FAB]  }
0x2c: {  	s7 =	sld [smem:$0x3FAC]  }
0x2d: {  	s3 =	simm.s32 $0x108;
	s8 =	sld [smem:$0x3FAD]  }
0x2e: {  	s3 =	simm.s32 @!p0 $0x1082;
	s9 =	sld [smem:$0x3FAE]  }
0x2f: {  	lr =	sadd.s32 s0, s3;
	s0 =	sld [smem:$0x3FA5]  }
0x30: {  	s3 =	sld [smem:$0x3FA8]  }
0x31: {  	[smem:$0x3FB1] =	sst s10  }
0x32: {  	s10 =	sld [smem:$0x3FAF];
	_ =	sdelay $0x3  }
0x33: {  	p0 =	seq.s32 s10, $0x1;
	s10 =	sld [smem:$0x3FB1];
	_ =	sdelay $0x3  }
0x34: {  	[smem:$0x3FB1] =	sst s10  }
0x35: {  	s10 =	sld [smem:$0x3FB0];
	_ =	sdelay $0x3  }
0x36: {  	p1 =	seq.s32 s10, $0x1;
	s10 =	sld [smem:$0x3FB1];
	_ =	sdelay $0x3  }
0x37: {  	[smem:$0x3FB1] =	sst s10  }
0x38: {  	s10 =	sld [smem:$0x3FB2]  }
0x39: {  	_ = 	snop;
	(pc) =	sbr.ind lr, $3  }
0x3a: {  	_ = 	snop  }
0x3b: {  	_ = 	snop  }
0x3c: {  	p2 =	seq.s32 s10, $0x1;
	s10 =	sld [smem:$0x3FB1]  }
0x3d: {  	_ =	shalt  }
0x3e: {  	_ =	shalt  }
0x3f: {  	_ =	shalt  }
0x40: {  	_ =	shalt  }
0x41: {  	_ =	shalt  }
0x42: {  	_ =	shalt  }
0x43: {  	_ =	shalt  }
0x44: {  	_ =	shalt  }
0x45: {  	_ =	shalt  }
0x46: {  	_ =	shalt  }
0x47: {  	_ =	shalt  }
0x48: {  	_ =	shalt  }
0x49: {  	_ =	shalt  }
0x4a: {  	_ =	shalt  }
0x4b: {  	_ =	shalt  }
0x4c: {  	_ =	shalt  }
0x4d: {  	_ =	shalt  }
0x4e: {  	_ =	shalt  }
0x4f: {  	_ =	shalt  }
0x50: {  	_ =	shalt  }
0x51: {  	_ =	shalt  }
0x52: {  	_ =	shalt  }
0x53: {  	_ =	shalt  }
0x54: {  	_ =	shalt  }
0x55: {  	_ =	shalt  }
0x56: {  	_ =	shalt  }
0x57: {  	_ =	shalt  }
0x58: {  	_ =	shalt  }
0x59: {  	_ =	shalt  }
0x5a: {  	_ =	shalt  }
0x5b: {  	_ =	shalt  }
0x5c: {  	_ =	shalt  }
0x5d: {  	_ =	shalt  }
0x5e: {  	_ =	shalt  }
0x5f: {  	_ =	shalt  }
0x60: {  	_ =	shalt  }
0x61: {  	_ =	shalt  }
0x62: {  	_ =	shalt  }
0x63: {  	_ =	shalt  }
0x64: {  	_ =	shalt  }
0x65: {  	_ =	shalt  }
0x66: {  	_ =	shalt  }
0x67: {  	_ =	shalt  }
0x68: {  	_ =	shalt  }
0x69: {  	_ =	shalt  }
0x6a: {  	_ =	shalt  }
0x6b: {  	_ =	shalt  }
0x6c: {  	_ =	shalt  }
0x6d: {  	_ =	shalt  }
0x6e: {  	_ =	shalt  }
0x6f: {  	_ =	shalt  }
0x70: {  	_ =	shalt  }
0x71: {  	_ =	shalt  }
0x72: {  	_ =	shalt  }
0x73: {  	_ =	shalt  }
0x74: {  	_ =	shalt  }
0x75: {  	_ =	shalt  }
0x76: {  	_ =	shalt  }
0x77: {  	_ =	shalt  }
0x78: {  	_ =	shalt  }
0x79: {  	_ =	shalt  }
0x7a: {  	_ =	shalt  }
0x7b: {  	_ =	shalt  }
0x7c: {  	_ =	shalt  }
0x7d: {  	_ =	shalt  }
0x7e: {  	_ =	shalt  }
0x7f: {  	_ =	shalt  }
0x80: {  	_ =	shalt  }
0x81: {  	_ =	shalt  }
0x82: {  	_ =	shalt  }
0x83: {  	_ =	shalt  }
0x84: {  	_ =	shalt  }
0x85: {  	_ =	shalt  }
0x86: {  	_ =	shalt  }
0x87: {  	_ =	shalt  }
.Lfunc_end0:
.L_simem_size_0:
called_computation.1_lowered:
.L_overlay_start_0:
0x88: {  	s2 =	sld [smem:$0x3FD9]  }
0x89: {  	s3 =	sld [smem:$0x3FFE];
	_ =	sdelay $0x1  }
0x8a: {  	s1 =	srdreg.scid  }
0x8b: {  	s0 =	sand.u32 $0x1, s1  }
0x8c: {  	s16 =	sshll.u32 s0, $0xA;
	s2 =	sadd.s32 s3, s2  }
0x8d: {  	s2 =	sadd.s32 s2, s16  }
0x8e: {  	[smem:$0x3FBD] =	sst s2  }
0x8f: {  	_ = 	snop  }
0x90: {  	(tm) =	ssettm $0x1  }
0x91: {  	s17 =	sld [smem:$0x3FFB];
	_ =	sdelay $0x3  }
0x92: {  	_ =	strace s17  }
0x93: {  	s2 =	sld [smem:$0x3FFC];
	_ =	sdelay $0x3  }
0x94: {  	_ =	strace s2  }
0x95: {  	s2 =	sld [smem:$0x3FFD];
	_ =	sdelay $0x3  }
0x96: {  	_ =	strace s2  }
0x97: {  	_ =	strace $0x8FFFFFFF  }
0x98: {  	s18 =	sld [smem:$0x3FDB];
	_ =	sdelay $0x1  }
0x99: {  	s19 =	simm.s32 $_scs_section_size  }
0x9a: {  	s4 =	simm.s32 $_size__tile_overlayer_lowered;
	s5 =	simm.s32 $_tile_overlayer_lowered  }
0x9b: {  	s22 =	simm.s32 $0x1BFF;
	s21 =	sshll.u32 s5, $0x1;
	s2 =	sadd.s32 s19, s18  }
0x9c: {  	s6 =	simm.s32 $0x0;
	s20 =	sshll.u32 s4, $0x1;
	s4 =	sadd.s32 s21, s2  }
0x9d: {  	[timem:s6], [sflag:s22] =	dma.local [hbm:s4], s20  }
0x9e: {  	_ =	swait.ge [sflag:s22], s20  }
0x9f: {  	s3 =	ssub.s32 $0x0, s20;
	[sflag:s22] =	ssyncset.done $0x0  }
0xa0: {  	[sflag:s22] =	ssyncadd.s32 s3;
	_ =	sdelay $0x1  }
0xa1: {  	s23 =	simm.s32 $0x1B8B  }
0xa2: {  	_ =	swait.ge [sflag:s23], $0x1  }
0xa3: {  	[sflag:s23] =	ssyncset.done $0x0  }
0xa4: {  	s25 =	simm.s32 $0x1B8E;
	s24 =	sld [smem:$0x3FFE];
	[sflag:s23] =	ssyncadd.s32 $0xFFFFFFFF  }
0xa5: {  	s26 =	simm.s32 $execute0_lowered;
	[smem:$0x3FD2] =	sst s25  }
0xa6: {  	s4 =	sshll.u32 s26, $0x1;
	_ =	strace $0x80000049;
	[dreg:$0x1] =	wrdreg $0xFFFFFFFF  }
0xa7: {  	s28 =	simm.s32 $_size_execute0_lowered;
	s2 =	sadd.s32 s2, s4;
	[dreg:$0x0] =	wrdreg $0x0  }
0xa8: {  	s4 =	sshll.u32 s28, $0x1;
	[dreg:$0x2] =	wrdreg s2  }
0xa9: {  	[dreg:$0x3] =	wrdreg s4  }
0xaa: {  	[dreg:$0x4] =	wrdreg $0xC0  }
0xab: {  	_ =	task [dreg:s6], $0x5FFFF  }
0xac: {  	[dreg:$0x1] =	wrdreg $0xFFFFFFFF  }
0xad: {  	[dreg:$0x0] =	wrdreg $0x60  }
0xae: {  	[dreg:$0x2] =	wrdreg s24  }
0xaf: {  	[dreg:$0x3] =	wrdreg $0x90000  }
0xb0: {  	[dreg:$0x4] =	wrdreg $0x9  }
0xb1: {  	_ =	task.clear_ibuf [dreg:s6], $0x5FFFF;
	_ =	strace $0x90000049  }
0xb2: {  	s29 =	simm.s32 $0x9;
	_ =	strace $0x8000004B  }
0xb3: {  	_ =	swait.ge [sflag:s29], $0x1  }
0xb4: {  	[sflag:s29] =	ssyncadd.s32 $0xFFFFFFFF  }
0xb5: {  	_ =	strace $0x9000004B  }
0xb6: {  	_ =	sfence  }
0xb7: {  	s30 =	sld [smem:$0x0];
	_ =	sdelay $0x2  }
0xb8: {  	s31 =	sshll.u32 s1, $0xD;
	s1 =	sshrl.u32 s1, $0x2  }
0xb9: {  	s3 =	sand.u32 $0x4000, s31;
	s1 =	sadd.s32 s1, s30  }
0xba: {  	s0 =	sor.u32 s3, s0;
	s1 =	sshll.u32 s1, $0x11  }
0xbb: {  	s0 =	sor.u32 s1, s0  }
0xbc: {  	s0 =	sadd.s32 $0x8F2B, s0  }
0xbd: {  	[sflag:s0] =	ssyncadd.remote.s32 $0x1  }
0xbe: {  	_ =	sfence.sel $0xFFFF  }
0xbf: {  	[dreg:$0x0] =	wrdreg $0xFFFFFFFF;
	(pc) =	sbr.abs _section_cstart, $3  }
0xc0: {  	[dreg:$0x1] =	wrdreg $0xFFFFFFFF  }
0xc1: {  	_ =	task.clear_ibuf [dreg:s6], $0x2FFFF;
	_ =	strace $0x9FFFFFFF  }
0xc2: {  	(tm) =	ssettm $0x7FFFFFFF  }
0xc3: {  	_ =	shalt  }
tec
execute0_lowered:
.L_overlay_start_1:
0x0: {  	(tag) =	ssettag $0x1  }
0x1: {  	s0 =	srdreg.scid;
	s1 =	rddreg [dreg:$0x0]  }
0x2: {  	s9 =	stileid.u32;
	s2 =	rddreg [dreg:$0x1];
	s3 =	simm.s32 $0x0  }
0x3: {  	s11 =	simm.s32 $0x880;
	s13 =	simm.s32 $0x180;
	s6 =	smul.u32 $0x2800, s9  }
0x4: {  	s15 =	simm.s32 $0x900;
	s17 =	simm.s32 $0x200;
	s8 =	smul.u32 $0x14000, s9  }
0x5: {  	[smem:$0x7FF] =	sst s3;
	s25 =	smul.u32 $0x50000, s9;
	s9 =	simm.s32 $0x100  }
0x6: {  	s18 =	simm.s32 $0x980;
	_ =	strace $0x8000004A;
	[dreg:$0x5] =	wrdreg s9  }
0x7: {  	s19 =	simm.s32 $0x280;
	s21 =	simm.s32 $0xA00;
	[dreg:$0x6] =	wrdreg s11  }
0x8: {  	s22 =	simm.s32 $0x300;
	s23 =	simm.s32 $0xA80;
	[dreg:$0x7] =	wrdreg s13  }
0x9: {  	s28 =	simm.s32 $0x600;
	s29 =	simm.s32 $0xD80;
	[dreg:$0x8] =	wrdreg s15  }
0xa: {  	s30 =	simm.s32 $0x680;
	s0 =	sand.u32 $0x1, s0;
	[dreg:$0x9] =	wrdreg s17  }
0xb: {  	s31 =	simm.s32 $0xE00;
	s5 =	smul.u32 $0x28000, s0;
	[dreg:$0xa] =	wrdreg s18  }
0xc: {  	s4 =	sadd.s32 $0xC600, s1;
	s7 =	smul.u32 $0x140000, s0;
	[dreg:$0xb] =	wrdreg s19  }
0xd: {  	s0 =	ssub.s32 $0x2, s0;
	s13 =	simm.s32 $0x4;
	[dreg:$0xc] =	wrdreg s21  }
0xe: {  	s15 =	simm.s32 $0x1;
	[dreg:$0xd] =	wrdreg s22;
	s17 =	simm.s32 $0x5000  }
0xf: {  	[dreg:$0xe] =	wrdreg s23;
	s18 =	simm.s32 $0x2;
	s19 =	simm.s32 $0x3  }
0x10: {  	s21 =	simm.s32 $0x480;
	s22 =	simm.s32 $0xC00;
	s23 =	simm.s32 $0x500  }
0x11: {  	s9 =	simm.s32 $0x0;
	s26 =	sshrl.u32 s0, $0x1;
	s5 =	sadd.s32 s6, s5  }
0x12: {  	s24 =	sadd.s32 s8, s7;
	s7 =	sshrl.u32 s25, $0x2;
	s25 =	simm.s32 $0xB00  }
0x13: {  	s0 =	ssub.s32 s0, s26;
	s26 =	simm.s32 $0x400;
	[dreg:$0x10] =	wrdreg s25  }
0x14: {  	s5 =	sshrl.u32 s5, $0x3;
	s0 =	smax.u32 s0, $0x1;
	[dreg:$0x11] =	wrdreg s26  }
0x15: {  	s6 =	sshrl.u32 s24, $0x3;
	s24 =	simm.s32 $0x380;
	[dreg:$0x14] =	wrdreg s0  }
0x16: {  	s20 =	sadd.s32 s7, s2;
	s25 =	simm.s32 $0x580;
	[dreg:$0xf] =	wrdreg s24  }
0x17: {  	s26 =	simm.s32 $0xD00;
	s10 =	sadd.s32 $0x4000, s20;
	[dreg:$0x12] =	wrdreg s20  }
0x18: {  	s5 =	sadd.s32 s5, s1;
	s12 =	sadd.s32 $0x8000, s20;
	[dreg:$0x15] =	wrdreg s10  }
0x19: {  	s1 =	sadd.s32 s6, s1;
	s14 =	sadd.s32 $0xC000, s20;
	[dreg:$0x16] =	wrdreg s12  }
0x1a: {  	s16 =	sadd.s32 $0x10000, s20;
	s24 =	simm.s32 $0xC80;
	[dreg:$0x17] =	wrdreg s14  }
0x1b: {  	s0 =	simm.s32 $0xE80;
	s1 =	sadd.s32 $0x66600, s1;
	[dreg:$0x18] =	wrdreg s16  }
0x1c: {  	s6 =	simm.s32 $0x780;
	s7 =	sadd.s32 $0x2600, s5;
	[dreg:$0x13] =	wrdreg s1  }
0x1d: {  	s8 =	sadd.s32 $0x5C600, s5;
	s12 =	simm.s32 $0x1000;
	[dreg:$0x3] =	wrdreg s7  }
0x1e: {  	s14 =	simm.s32 $0x800;
	s16 =	simm.s32 $0x80;
	[dreg:$0x4] =	wrdreg s8  }
0x1f: {  	v0 =	vimm.f32 $0.0e+00;
	s1 =	simm.s32 $0x700;
	s7 =	simm.s32 $0xF00;
	s8 =	simm.s32 $0xF80  }
.LBB2_1:
0x20: {  	s5 =	sand.u32 $0xFE00, s3  }
0x21: {  	[dreg:$0x19] =	wrdreg s9;
	s11 =	sand.u32 $0x70, s3;
	s5 =	sshrl.u32 s5, $0x2  }
0x22: {  	s10 =	simm.s32 $0x40;
	s5 =	sor.u32 s11, s5;
	s11 =	simm.s32 $0x0  }
.LBB2_2:
0x23: {  	p0 =	sne.s32 s10, $0xFFC0  }
0x24: {  	[tilespmem:s5+$0x1000] =	vst v0;
	s11 =	sadd.s32 $0x10, s11;
	s5 =	smov.u32 s10;
	s10 =	sadd.s32 $0x40, s10  }
.Ltmp0:
0x25: {  	(pc) =	sbr.rel @p0 .LBB2_2-.Ltmp0, $4  }
0x26: {  	_ = 	snop  }
0x27: {  	s5 =	sand.u32 $0xFE00, s5  }
0x28: {  	s9 =	sand.u32 $0x70, s11;
	s5 =	sshrl.u32 s5, $0x2  }
0x29: {  	s5 =	sor.u32 s9, s5  }
0x2a: {  	[tilespmem:s5+$0x1000] =	vst v0  }
0x2b: {  	[spmem:s20] =	stream.linear.scatter [tilespmem:s12], [sflag:$0x4], $0x4000, $0x38;
	[tilespmem:$0x1D000] =	vst v63  }
0x2c: {  	_ =	swait.ge [sflag:s13], $0x4000  }
0x2d: {  	[sflag:s13] =	ssyncset.done $0x0  }
0x2e: {  	s20 =	rddreg [dreg:$0x15];
	[sflag:s13] =	ssyncadd.s32 $0xFFFFC000  }
0x2f: {  	[spmem:s20] =	stream.linear.scatter [tilespmem:s12], [sflag:$0x4], $0x4000, $0x38;
	[tilespmem:$0x1D000] =	vst v63  }
0x30: {  	_ =	swait.ge [sflag:s13], $0x4000  }
0x31: {  	[sflag:s13] =	ssyncset.done $0x0  }
0x32: {  	s9 =	rddreg [dreg:$0x16];
	[sflag:s13] =	ssyncadd.s32 $0xFFFFC000  }
0x33: {  	[spmem:s9] =	stream.linear.scatter [tilespmem:s12], [sflag:$0x4], $0x4000, $0x38;
	[tilespmem:$0x1D000] =	vst v63  }
0x34: {  	_ =	swait.ge [sflag:s13], $0x4000  }
0x35: {  	[sflag:s13] =	ssyncset.done $0x0  }
0x36: {  	s10 =	rddreg [dreg:$0x17];
	[sflag:s13] =	ssyncadd.s32 $0xFFFFC000  }
0x37: {  	[spmem:s10] =	stream.linear.scatter [tilespmem:s12], [sflag:$0x4], $0x4000, $0x38;
	[tilespmem:$0x1D000] =	vst v63  }
0x38: {  	_ =	swait.ge [sflag:s13], $0x4000  }
0x39: {  	[sflag:s13] =	ssyncset.done $0x0  }
0x3a: {  	s11 =	rddreg [dreg:$0x18];
	[sflag:s13] =	ssyncadd.s32 $0xFFFFC000  }
0x3b: {  	[spmem:s11] =	stream.linear.scatter [tilespmem:s12], [sflag:$0x4], $0x4000, $0x38;
	[tilespmem:$0x1D000] =	vst v63  }
0x3c: {  	_ =	swait.ge [sflag:s13], $0x4000  }
0x3d: {  	[sflag:s13] =	ssyncset.done $0x0  }
0x3e: {  	[sflag:s13] =	ssyncadd.s32 $0xFFFFC000  }
0x3f: {  	[bflag:$0x0] =	sbarrier.arrive $0xFFFF  }
0x40: {  	s20 =	rddreg [dreg:$0x4]  }
0x41: {  	s9 =	rddreg [dreg:$0x3];
	s5 =	sadd.s32 $0x0, s20  }
0x42: {  	[tilespmem:s3], [sflag:$0x1] =	stream.linear.gather [hbm4b:s5+s3], $0x800, $0x38;
	[tilespmem:$0x1D000] =	vst v63  }
0x43: {  	s10 =	sadd.s32 $0x0, s9  }
0x44: {  	[tilespmem:s14], [sflag:$0x1] =	stream.linear.gather [hbm4b:s10+s3], $0x800, $0x38;
	[tilespmem:$0x1D000] =	vst v63  }
0x45: {  	_ =	swait.ge [sflag:s15], $0x800  }
0x46: {  	[sflag:s15] =	ssyncset.done $0x0  }
0x47: {  	[sflag:s15] =	ssyncadd.s32 $0xFFFFF800  }
0x48: {  	_ =	swait.ge [sflag:s15], $0x800  }
0x49: {  	[sflag:s15] =	ssyncset.done $0x0  }
0x4a: {  	[sflag:s15] =	ssyncadd.s32 $0xFFFFF800  }
0x4b: {  	[tilespmem:s12], [sflag:$0x2] =	stream.indirect.gather [hbm4b:s4+s16], $0x80, s3, s16, $0xb8;
	[tilespmem:$0x1D000] =	vst v63  }
0x4c: {  	_ = 	snop  }
0x4d: {  	[tilespmem:s17], [sflag:$0x3] =	stream.indirect.gather [hbm4b:s4+s16], $0x80, s16, s16, $0xb8;
	[tilespmem:$0x1D000] =	vst v63  }
0x4e: {  	_ =	swait.ge [sflag:s18], $0x4000  }
0x4f: {  	[sflag:s18] =	ssyncset.done $0x0  }
0x50: {  	[sflag:s18] =	ssyncadd.s32 $0xFFFFC000  }
0x51: {  	[spmem:s2] =	stream.indirect.scatter.add.f32 [tilespmem:s12], [sflag:$0x4], $0x80, s14, s16, $0xb8;
	[tilespmem:$0x1D000] =	vst v63  }
0x52: {  	_ =	swait.ge [sflag:s13], $0x4000  }
0x53: {  	[sflag:s13] =	ssyncset.done $0x0  }
0x54: {  	s11 =	rddreg [dreg:$0x5];
	[sflag:s13] =	ssyncadd.s32 $0xFFFFC000  }
0x55: {  	[tilespmem:s12], [sflag:$0x2] =	stream.indirect.gather [hbm4b:s4+s16], $0x80, s11, s16, $0xb8;
	[tilespmem:$0x1D000] =	vst v63  }
0x56: {  	_ =	swait.ge [sflag:s19], $0x4000  }
0x57: {  	[sflag:s19] =	ssyncset.done $0x0  }
0x58: {  	s20 =	rddreg [dreg:$0x6];
	[sflag:s19] =	ssyncadd.s32 $0xFFFFC000  }
0x59: {  	[spmem:s2] =	stream.indirect.scatter.add.f32 [tilespmem:s17], [sflag:$0x4], $0x80, s20, s16, $0xb8;
	[tilespmem:$0x1D000] =	vst v63  }
0x5a: {  	_ =	swait.ge [sflag:s13], $0x4000  }
0x5b: {  	[sflag:s13] =	ssyncset.done $0x0  }
0x5c: {  	s9 =	rddreg [dreg:$0x7];
	[sflag:s13] =	ssyncadd.s32 $0xFFFFC000  }
0x5d: {  	[tilespmem:s17], [sflag:$0x3] =	stream.indirect.gather [hbm4b:s4+s16], $0x80, s9, s16, $0xb8;
	[tilespmem:$0x1D000] =	vst v63  }
0x5e: {  	_ =	swait.ge [sflag:s18], $0x4000  }
0x5f: {  	[sflag:s18] =	ssyncset.done $0x0  }
0x60: {  	s10 =	rddreg [dreg:$0x8];
	[sflag:s18] =	ssyncadd.s32 $0xFFFFC000  }
0x61: {  	[spmem:s2] =	stream.indirect.scatter.add.f32 [tilespmem:s12], [sflag:$0x4], $0x80, s10, s16, $0xb8;
	[tilespmem:$0x1D000] =	vst v63  }
0x62: {  	_ =	swait.ge [sflag:s13], $0x4000  }
0x63: {  	[sflag:s13] =	ssyncset.done $0x0  }
0x64: {  	s11 =	rddreg [dreg:$0x9];
	[sflag:s13] =	ssyncadd.s32 $0xFFFFC000  }
0x65: {  	[tilespmem:s12], [sflag:$0x2] =	stream.indirect.gather [hbm4b:s4+s16], $0x80, s11, s16, $0xb8;
	[tilespmem:$0x1D000] =	vst v63  }
0x66: {  	_ =	swait.ge [sflag:s19], $0x4000  }
0x67: {  	[sflag:s19] =	ssyncset.done $0x0  }
0x68: {  	s20 =	rddreg [dreg:$0xa];
	[sflag:s19] =	ssyncadd.s32 $0xFFFFC000  }
0x69: {  	[spmem:s2] =	stream.indirect.scatter.add.f32 [tilespmem:s17], [sflag:$0x4], $0x80, s20, s16, $0xb8;
	[tilespmem:$0x1D000] =	vst v63  }
0x6a: {  	_ =	swait.ge [sflag:s13], $0x4000  }
0x6b: {  	[sflag:s13] =	ssyncset.done $0x0  }
0x6c: {  	s9 =	rddreg [dreg:$0xb];
	[sflag:s13] =	ssyncadd.s32 $0xFFFFC000  }
0x6d: {  	[tilespmem:s17], [sflag:$0x3] =	stream.indirect.gather [hbm4b:s4+s16], $0x80, s9, s16, $0xb8;
	[tilespmem:$0x1D000] =	vst v63  }
0x6e: {  	_ =	swait.ge [sflag:s18], $0x4000  }
0x6f: {  	[sflag:s18] =	ssyncset.done $0x0  }
0x70: {  	s10 =	rddreg [dreg:$0xc];
	[sflag:s18] =	ssyncadd.s32 $0xFFFFC000  }
0x71: {  	[spmem:s2] =	stream.indirect.scatter.add.f32 [tilespmem:s12], [sflag:$0x4], $0x80, s10, s16, $0xb8;
	[tilespmem:$0x1D000] =	vst v63  }
0x72: {  	_ =	swait.ge [sflag:s13], $0x4000  }
0x73: {  	[sflag:s13] =	ssyncset.done $0x0  }
0x74: {  	s11 =	rddreg [dreg:$0xd];
	[sflag:s13] =	ssyncadd.s32 $0xFFFFC000  }
0x75: {  	[tilespmem:s12], [sflag:$0x2] =	stream.indirect.gather [hbm4b:s4+s16], $0x80, s11, s16, $0xb8;
	[tilespmem:$0x1D000] =	vst v63  }
0x76: {  	_ =	swait.ge [sflag:s19], $0x4000  }
0x77: {  	[sflag:s19] =	ssyncset.done $0x0  }
0x78: {  	s20 =	rddreg [dreg:$0xe];
	[sflag:s19] =	ssyncadd.s32 $0xFFFFC000  }
0x79: {  	[spmem:s2] =	stream.indirect.scatter.add.f32 [tilespmem:s17], [sflag:$0x4], $0x80, s20, s16, $0xb8;
	[tilespmem:$0x1D000] =	vst v63  }
0x7a: {  	_ =	swait.ge [sflag:s13], $0x4000  }
0x7b: {  	[sflag:s13] =	ssyncset.done $0x0  }
0x7c: {  	s9 =	rddreg [dreg:$0xf];
	[sflag:s13] =	ssyncadd.s32 $0xFFFFC000  }
0x7d: {  	[tilespmem:s17], [sflag:$0x3] =	stream.indirect.gather [hbm4b:s4+s16], $0x80, s9, s16, $0xb8;
	[tilespmem:$0x1D000] =	vst v63  }
0x7e: {  	_ =	swait.ge [sflag:s18], $0x4000  }
0x7f: {  	[sflag:s18] =	ssyncset.done $0x0  }
0x80: {  	s10 =	rddreg [dreg:$0x10];
	[sflag:s18] =	ssyncadd.s32 $0xFFFFC000  }
0x81: {  	[spmem:s2] =	stream.indirect.scatter.add.f32 [tilespmem:s12], [sflag:$0x4], $0x80, s10, s16, $0xb8;
	[tilespmem:$0x1D000] =	vst v63  }
0x82: {  	_ =	swait.ge [sflag:s13], $0x4000  }
0x83: {  	[sflag:s13] =	ssyncset.done $0x0  }
0x84: {  	s11 =	rddreg [dreg:$0x11];
	[sflag:s13] =	ssyncadd.s32 $0xFFFFC000  }
0x85: {  	[tilespmem:s12], [sflag:$0x2] =	stream.indirect.gather [hbm4b:s4+s16], $0x80, s11, s16, $0xb8;
	[tilespmem:$0x1D000] =	vst v63  }
0x86: {  	_ =	swait.ge [sflag:s19], $0x4000  }
0x87: {  	[sflag:s19] =	ssyncset.done $0x0  }
0x88: {  	s20 =	simm.s32 $0xB80;
	[sflag:s19] =	ssyncadd.s32 $0xFFFFC000  }
0x89: {  	[spmem:s2] =	stream.indirect.scatter.add.f32 [tilespmem:s17], [sflag:$0x4], $0x80, s20, s16, $0xb8;
	[tilespmem:$0x1D000] =	vst v63  }
0x8a: {  	_ =	swait.ge [sflag:s13], $0x4000  }
0x8b: {  	[sflag:s13] =	ssyncset.done $0x0  }
0x8c: {  	[sflag:s13] =	ssyncadd.s32 $0xFFFFC000  }
0x8d: {  	[tilespmem:s17], [sflag:$0x3] =	stream.indirect.gather [hbm4b:s4+s16], $0x80, s21, s16, $0xb8;
	[tilespmem:$0x1D000] =	vst v63  }
0x8e: {  	_ =	swait.ge [sflag:s18], $0x4000  }
0x8f: {  	[sflag:s18] =	ssyncset.done $0x0  }
0x90: {  	[sflag:s18] =	ssyncadd.s32 $0xFFFFC000  }
0x91: {  	[spmem:s2] =	stream.indirect.scatter.add.f32 [tilespmem:s12], [sflag:$0x4], $0x80, s22, s16, $0xb8;
	[tilespmem:$0x1D000] =	vst v63  }
0x92: {  	_ =	swait.ge [sflag:s13], $0x4000  }
0x93: {  	[sflag:s13] =	ssyncset.done $0x0  }
0x94: {  	[sflag:s13] =	ssyncadd.s32 $0xFFFFC000  }
0x95: {  	[tilespmem:s12], [sflag:$0x2] =	stream.indirect.gather [hbm4b:s4+s16], $0x80, s23, s16, $0xb8;
	[tilespmem:$0x1D000] =	vst v63  }
0x96: {  	_ =	swait.ge [sflag:s19], $0x4000  }
0x97: {  	[sflag:s19] =	ssyncset.done $0x0  }
0x98: {  	[sflag:s19] =	ssyncadd.s32 $0xFFFFC000  }
0x99: {  	[spmem:s2] =	stream.indirect.scatter.add.f32 [tilespmem:s17], [sflag:$0x4], $0x80, s24, s16, $0xb8;
	[tilespmem:$0x1D000] =	vst v63  }
0x9a: {  	_ =	swait.ge [sflag:s13], $0x4000  }
0x9b: {  	[sflag:s13] =	ssyncset.done $0x0  }
0x9c: {  	[sflag:s13] =	ssyncadd.s32 $0xFFFFC000  }
0x9d: {  	[tilespmem:s17], [sflag:$0x3] =	stream.indirect.gather [hbm4b:s4+s16], $0x80, s25, s16, $0xb8;
	[tilespmem:$0x1D000] =	vst v63  }
0x9e: {  	_ =	swait.ge [sflag:s18], $0x4000  }
0x9f: {  	[sflag:s18] =	ssyncset.done $0x0  }
0xa0: {  	[sflag:s18] =	ssyncadd.s32 $0xFFFFC000  }
0xa1: {  	[spmem:s2] =	stream.indirect.scatter.add.f32 [tilespmem:s12], [sflag:$0x4], $0x80, s26, s16, $0xb8;
	[tilespmem:$0x1D000] =	vst v63  }
0xa2: {  	_ =	swait.ge [sflag:s13], $0x4000  }
0xa3: {  	[sflag:s13] =	ssyncset.done $0x0  }
0xa4: {  	[sflag:s13] =	ssyncadd.s32 $0xFFFFC000  }
0xa5: {  	[tilespmem:s12], [sflag:$0x2] =	stream.indirect.gather [hbm4b:s4+s16], $0x80, s28, s16, $0xb8;
	[tilespmem:$0x1D000] =	vst v63  }
0xa6: {  	_ =	swait.ge [sflag:s19], $0x4000  }
0xa7: {  	[sflag:s19] =	ssyncset.done $0x0  }
0xa8: {  	[sflag:s19] =	ssyncadd.s32 $0xFFFFC000  }
0xa9: {  	[spmem:s2] =	stream.indirect.scatter.add.f32 [tilespmem:s17], [sflag:$0x4], $0x80, s29, s16, $0xb8;
	[tilespmem:$0x1D000] =	vst v63  }
0xaa: {  	_ =	swait.ge [sflag:s13], $0x4000  }
0xab: {  	[sflag:s13] =	ssyncset.done $0x0  }
0xac: {  	[sflag:s13] =	ssyncadd.s32 $0xFFFFC000  }
0xad: {  	[tilespmem:s17], [sflag:$0x3] =	stream.indirect.gather [hbm4b:s4+s16], $0x80, s30, s16, $0xb8;
	[tilespmem:$0x1D000] =	vst v63  }
0xae: {  	_ =	swait.ge [sflag:s18], $0x4000  }
0xaf: {  	[sflag:s18] =	ssyncset.done $0x0  }
0xb0: {  	[sflag:s18] =	ssyncadd.s32 $0xFFFFC000  }
0xb1: {  	[spmem:s2] =	stream.indirect.scatter.add.f32 [tilespmem:s12], [sflag:$0x4], $0x80, s31, s16, $0xb8;
	[tilespmem:$0x1D000] =	vst v63  }
0xb2: {  	_ =	swait.ge [sflag:s13], $0x4000  }
0xb3: {  	[sflag:s13] =	ssyncset.done $0x0  }
0xb4: {  	[sflag:s13] =	ssyncadd.s32 $0xFFFFC000  }
0xb5: {  	[tilespmem:s12], [sflag:$0x2] =	stream.indirect.gather [hbm4b:s4+s16], $0x80, s1, s16, $0xb8;
	[tilespmem:$0x1D000] =	vst v63  }
0xb6: {  	_ =	swait.ge [sflag:s19], $0x4000  }
0xb7: {  	[sflag:s19] =	ssyncset.done $0x0  }
0xb8: {  	[sflag:s19] =	ssyncadd.s32 $0xFFFFC000  }
0xb9: {  	[spmem:s2] =	stream.indirect.scatter.add.f32 [tilespmem:s17], [sflag:$0x4], $0x80, s0, s16, $0xb8;
	[tilespmem:$0x1D000] =	vst v63  }
0xba: {  	_ =	swait.ge [sflag:s13], $0x4000  }
0xbb: {  	[sflag:s13] =	ssyncset.done $0x0  }
0xbc: {  	[sflag:s13] =	ssyncadd.s32 $0xFFFFC000  }
0xbd: {  	[tilespmem:s17], [sflag:$0x3] =	stream.indirect.gather [hbm4b:s4+s16], $0x80, s6, s16, $0xb8;
	[tilespmem:$0x1D000] =	vst v63  }
0xbe: {  	_ =	swait.ge [sflag:s18], $0x4000  }
0xbf: {  	[sflag:s18] =	ssyncset.done $0x0  }
0xc0: {  	[sflag:s18] =	ssyncadd.s32 $0xFFFFC000  }
0xc1: {  	[spmem:s2] =	stream.indirect.scatter.add.f32 [tilespmem:s12], [sflag:$0x4], $0x80, s7, s16, $0xb8;
	[tilespmem:$0x1D000] =	vst v63  }
0xc2: {  	_ =	swait.ge [sflag:s13], $0x4000  }
0xc3: {  	[sflag:s13] =	ssyncset.done $0x0  }
0xc4: {  	[sflag:s13] =	ssyncadd.s32 $0xFFFFC000  }
0xc5: {  	_ =	swait.ge [sflag:s19], $0x4000  }
0xc6: {  	[sflag:s19] =	ssyncset.done $0x0  }
0xc7: {  	[sflag:s19] =	ssyncadd.s32 $0xFFFFC000  }
0xc8: {  	[spmem:s2] =	stream.indirect.scatter.add.f32 [tilespmem:s17], [sflag:$0x4], $0x80, s8, s16, $0xb8;
	[tilespmem:$0x1D000] =	vst v63  }
0xc9: {  	s10 =	simm.s32 $0x100;
	_ =	swait.ge [sflag:s13], $0x4000  }
0xca: {  	s11 =	simm.s32 $0x200;
	s5 =	rddreg [dreg:$0x4];
	[sflag:s13] =	ssyncset.done $0x0  }
.LBB2_4:
0xcb: {  	[sflag:s13] =	ssyncadd.s32 $0xFFFFC000;
	s20 =	rddreg [dreg:$0x3];
	s5 =	sadd.s32 s10, s5  }
0xcc: {  	[tilespmem:s3], [sflag:$0x1] =	stream.linear.gather [hbm4b:s5+s3], $0x800, $0x38;
	[tilespmem:$0x1D000] =	vst v63  }
0xcd: {  	s5 =	sadd.s32 s10, s20  }
0xce: {  	[tilespmem:s14], [sflag:$0x1] =	stream.linear.gather [hbm4b:s5+s3], $0x800, $0x38;
	[tilespmem:$0x1D000] =	vst v63  }
0xcf: {  	_ =	swait.ge [sflag:s15], $0x800  }
0xd0: {  	[sflag:s15] =	ssyncset.done $0x0  }
0xd1: {  	[sflag:s15] =	ssyncadd.s32 $0xFFFFF800  }
0xd2: {  	_ =	swait.ge [sflag:s15], $0x800  }
0xd3: {  	[sflag:s15] =	ssyncset.done $0x0  }
0xd4: {  	[sflag:s15] =	ssyncadd.s32 $0xFFFFF800  }
0xd5: {  	[tilespmem:s12], [sflag:$0x2] =	stream.indirect.gather [hbm4b:s4+s16], $0x80, s3, s16, $0xb8;
	[tilespmem:$0x1D000] =	vst v63  }
0xd6: {  	_ = 	snop  }
0xd7: {  	[tilespmem:s17], [sflag:$0x3] =	stream.indirect.gather [hbm4b:s4+s16], $0x80, s16, s16, $0xb8;
	[tilespmem:$0x1D000] =	vst v63  }
0xd8: {  	_ =	swait.ge [sflag:s18], $0x4000  }
0xd9: {  	[sflag:s18] =	ssyncset.done $0x0  }
0xda: {  	[sflag:s18] =	ssyncadd.s32 $0xFFFFC000  }
0xdb: {  	[spmem:s2] =	stream.indirect.scatter.add.f32 [tilespmem:s12], [sflag:$0x4], $0x80, s14, s16, $0xb8;
	[tilespmem:$0x1D000] =	vst v63  }
0xdc: {  	_ =	swait.ge [sflag:s13], $0x4000  }
0xdd: {  	s9 =	smov.u32 s11;
	[sflag:s13] =	ssyncset.done $0x0  }
0xde: {  	s10 =	smov.u32 s9;
	s9 =	rddreg [dreg:$0x5];
	[sflag:s13] =	ssyncadd.s32 $0xFFFFC000  }
0xdf: {  	[tilespmem:s12], [sflag:$0x2] =	stream.indirect.gather [hbm4b:s4+s16], $0x80, s9, s16, $0xb8;
	[tilespmem:$0x1D000] =	vst v63  }
0xe0: {  	_ =	swait.ge [sflag:s19], $0x4000  }
0xe1: {  	[sflag:s19] =	ssyncset.done $0x0  }
0xe2: {  	s9 =	rddreg [dreg:$0x6];
	[sflag:s19] =	ssyncadd.s32 $0xFFFFC000  }
0xe3: {  	[spmem:s2] =	stream.indirect.scatter.add.f32 [tilespmem:s17], [sflag:$0x4], $0x80, s9, s16, $0xb8;
	[tilespmem:$0x1D000] =	vst v63  }
0xe4: {  	_ =	swait.ge [sflag:s13], $0x4000  }
0xe5: {  	[sflag:s13] =	ssyncset.done $0x0  }
0xe6: {  	s9 =	rddreg [dreg:$0x7];
	[sflag:s13] =	ssyncadd.s32 $0xFFFFC000  }
0xe7: {  	[tilespmem:s17], [sflag:$0x3] =	stream.indirect.gather [hbm4b:s4+s16], $0x80, s9, s16, $0xb8;
	[tilespmem:$0x1D000] =	vst v63  }
0xe8: {  	_ =	swait.ge [sflag:s18], $0x4000  }
0xe9: {  	[sflag:s18] =	ssyncset.done $0x0  }
0xea: {  	s9 =	rddreg [dreg:$0x8];
	[sflag:s18] =	ssyncadd.s32 $0xFFFFC000  }
0xeb: {  	[spmem:s2] =	stream.indirect.scatter.add.f32 [tilespmem:s12], [sflag:$0x4], $0x80, s9, s16, $0xb8;
	[tilespmem:$0x1D000] =	vst v63  }
0xec: {  	_ =	swait.ge [sflag:s13], $0x4000  }
0xed: {  	[sflag:s13] =	ssyncset.done $0x0  }
0xee: {  	s9 =	rddreg [dreg:$0x9];
	[sflag:s13] =	ssyncadd.s32 $0xFFFFC000  }
0xef: {  	[tilespmem:s12], [sflag:$0x2] =	stream.indirect.gather [hbm4b:s4+s16], $0x80, s9, s16, $0xb8;
	[tilespmem:$0x1D000] =	vst v63  }
0xf0: {  	_ =	swait.ge [sflag:s19], $0x4000  }
0xf1: {  	[sflag:s19] =	ssyncset.done $0x0  }
0xf2: {  	s9 =	rddreg [dreg:$0xa];
	[sflag:s19] =	ssyncadd.s32 $0xFFFFC000  }
0xf3: {  	[spmem:s2] =	stream.indirect.scatter.add.f32 [tilespmem:s17], [sflag:$0x4], $0x80, s9, s16, $0xb8;
	[tilespmem:$0x1D000] =	vst v63  }
0xf4: {  	_ =	swait.ge [sflag:s13], $0x4000  }
0xf5: {  	[sflag:s13] =	ssyncset.done $0x0  }
0xf6: {  	s9 =	rddreg [dreg:$0xb];
	[sflag:s13] =	ssyncadd.s32 $0xFFFFC000  }
0xf7: {  	[tilespmem:s17], [sflag:$0x3] =	stream.indirect.gather [hbm4b:s4+s16], $0x80, s9, s16, $0xb8;
	[tilespmem:$0x1D000] =	vst v63  }
0xf8: {  	_ =	swait.ge [sflag:s18], $0x4000  }
0xf9: {  	[sflag:s18] =	ssyncset.done $0x0  }
0xfa: {  	s9 =	rddreg [dreg:$0xc];
	[sflag:s18] =	ssyncadd.s32 $0xFFFFC000  }
0xfb: {  	[spmem:s2] =	stream.indirect.scatter.add.f32 [tilespmem:s12], [sflag:$0x4], $0x80, s9, s16, $0xb8;
	[tilespmem:$0x1D000] =	vst v63  }
0xfc: {  	_ =	swait.ge [sflag:s13], $0x4000  }
0xfd: {  	[sflag:s13] =	ssyncset.done $0x0  }
0xfe: {  	s9 =	rddreg [dreg:$0xd];
	[sflag:s13] =	ssyncadd.s32 $0xFFFFC000  }
0xff: {  	[tilespmem:s12], [sflag:$0x2] =	stream.indirect.gather [hbm4b:s4+s16], $0x80, s9, s16, $0xb8;
	[tilespmem:$0x1D000] =	vst v63  }
0x100: {  	_ =	swait.ge [sflag:s19], $0x4000  }
0x101: {  	[sflag:s19] =	ssyncset.done $0x0  }
0x102: {  	s9 =	rddreg [dreg:$0xe];
	[sflag:s19] =	ssyncadd.s32 $0xFFFFC000  }
0x103: {  	[spmem:s2] =	stream.indirect.scatter.add.f32 [tilespmem:s17], [sflag:$0x4], $0x80, s9, s16, $0xb8;
	[tilespmem:$0x1D000] =	vst v63  }
0x104: {  	_ =	swait.ge [sflag:s13], $0x4000  }
0x105: {  	[sflag:s13] =	ssyncset.done $0x0  }
0x106: {  	s9 =	rddreg [dreg:$0xf];
	[sflag:s13] =	ssyncadd.s32 $0xFFFFC000  }
0x107: {  	[tilespmem:s17], [sflag:$0x3] =	stream.indirect.gather [hbm4b:s4+s16], $0x80, s9, s16, $0xb8;
	[tilespmem:$0x1D000] =	vst v63  }
0x108: {  	_ =	swait.ge [sflag:s18], $0x4000  }
0x109: {  	[sflag:s18] =	ssyncset.done $0x0  }
0x10a: {  	s9 =	rddreg [dreg:$0x10];
	[sflag:s18] =	ssyncadd.s32 $0xFFFFC000  }
0x10b: {  	[spmem:s2] =	stream.indirect.scatter.add.f32 [tilespmem:s12], [sflag:$0x4], $0x80, s9, s16, $0xb8;
	[tilespmem:$0x1D000] =	vst v63  }
0x10c: {  	_ =	swait.ge [sflag:s13], $0x4000  }
0x10d: {  	[sflag:s13] =	ssyncset.done $0x0  }
0x10e: {  	s9 =	rddreg [dreg:$0x11];
	[sflag:s13] =	ssyncadd.s32 $0xFFFFC000  }
0x10f: {  	[tilespmem:s12], [sflag:$0x2] =	stream.indirect.gather [hbm4b:s4+s16], $0x80, s9, s16, $0xb8;
	[tilespmem:$0x1D000] =	vst v63  }
0x110: {  	_ =	swait.ge [sflag:s19], $0x4000  }
0x111: {  	[sflag:s19] =	ssyncset.done $0x0  }
0x112: {  	s20 =	simm.s32 $0xB80;
	[sflag:s19] =	ssyncadd.s32 $0xFFFFC000  }
0x113: {  	[spmem:s2] =	stream.indirect.scatter.add.f32 [tilespmem:s17], [sflag:$0x4], $0x80, s20, s16, $0xb8;
	[tilespmem:$0x1D000] =	vst v63  }
0x114: {  	_ =	swait.ge [sflag:s13], $0x4000  }
0x115: {  	[sflag:s13] =	ssyncset.done $0x0  }
0x116: {  	[sflag:s13] =	ssyncadd.s32 $0xFFFFC000  }
0x117: {  	[tilespmem:s17], [sflag:$0x3] =	stream.indirect.gather [hbm4b:s4+s16], $0x80, s21, s16, $0xb8;
	[tilespmem:$0x1D000] =	vst v63  }
0x118: {  	_ =	swait.ge [sflag:s18], $0x4000  }
0x119: {  	[sflag:s18] =	ssyncset.done $0x0  }
0x11a: {  	[sflag:s18] =	ssyncadd.s32 $0xFFFFC000  }
0x11b: {  	[spmem:s2] =	stream.indirect.scatter.add.f32 [tilespmem:s12], [sflag:$0x4], $0x80, s22, s16, $0xb8;
	[tilespmem:$0x1D000] =	vst v63  }
0x11c: {  	_ =	swait.ge [sflag:s13], $0x4000  }
0x11d: {  	[sflag:s13] =	ssyncset.done $0x0  }
0x11e: {  	[sflag:s13] =	ssyncadd.s32 $0xFFFFC000  }
0x11f: {  	[tilespmem:s12], [sflag:$0x2] =	stream.indirect.gather [hbm4b:s4+s16], $0x80, s23, s16, $0xb8;
	[tilespmem:$0x1D000] =	vst v63  }
0x120: {  	_ =	swait.ge [sflag:s19], $0x4000  }
0x121: {  	[sflag:s19] =	ssyncset.done $0x0  }
0x122: {  	[sflag:s19] =	ssyncadd.s32 $0xFFFFC000  }
0x123: {  	[spmem:s2] =	stream.indirect.scatter.add.f32 [tilespmem:s17], [sflag:$0x4], $0x80, s24, s16, $0xb8;
	[tilespmem:$0x1D000] =	vst v63  }
0x124: {  	_ =	swait.ge [sflag:s13], $0x4000  }
0x125: {  	[sflag:s13] =	ssyncset.done $0x0  }
0x126: {  	[sflag:s13] =	ssyncadd.s32 $0xFFFFC000  }
0x127: {  	[tilespmem:s17], [sflag:$0x3] =	stream.indirect.gather [hbm4b:s4+s16], $0x80, s25, s16, $0xb8;
	[tilespmem:$0x1D000] =	vst v63  }
0x128: {  	_ =	swait.ge [sflag:s18], $0x4000  }
0x129: {  	[sflag:s18] =	ssyncset.done $0x0  }
0x12a: {  	[sflag:s18] =	ssyncadd.s32 $0xFFFFC000  }
0x12b: {  	[spmem:s2] =	stream.indirect.scatter.add.f32 [tilespmem:s12], [sflag:$0x4], $0x80, s26, s16, $0xb8;
	[tilespmem:$0x1D000] =	vst v63  }
0x12c: {  	_ =	swait.ge [sflag:s13], $0x4000  }
0x12d: {  	[sflag:s13] =	ssyncset.done $0x0  }
0x12e: {  	[sflag:s13] =	ssyncadd.s32 $0xFFFFC000  }
0x12f: {  	[tilespmem:s12], [sflag:$0x2] =	stream.indirect.gather [hbm4b:s4+s16], $0x80, s28, s16, $0xb8;
	[tilespmem:$0x1D000] =	vst v63  }
0x130: {  	_ =	swait.ge [sflag:s19], $0x4000  }
0x131: {  	[sflag:s19] =	ssyncset.done $0x0  }
0x132: {  	[sflag:s19] =	ssyncadd.s32 $0xFFFFC000  }
0x133: {  	[spmem:s2] =	stream.indirect.scatter.add.f32 [tilespmem:s17], [sflag:$0x4], $0x80, s29, s16, $0xb8;
	[tilespmem:$0x1D000] =	vst v63  }
0x134: {  	_ =	swait.ge [sflag:s13], $0x4000  }
0x135: {  	[sflag:s13] =	ssyncset.done $0x0  }
0x136: {  	[sflag:s13] =	ssyncadd.s32 $0xFFFFC000  }
0x137: {  	[tilespmem:s17], [sflag:$0x3] =	stream.indirect.gather [hbm4b:s4+s16], $0x80, s30, s16, $0xb8;
	[tilespmem:$0x1D000] =	vst v63  }
0x138: {  	_ =	swait.ge [sflag:s18], $0x4000  }
0x139: {  	[sflag:s18] =	ssyncset.done $0x0  }
0x13a: {  	[sflag:s18] =	ssyncadd.s32 $0xFFFFC000  }
0x13b: {  	[spmem:s2] =	stream.indirect.scatter.add.f32 [tilespmem:s12], [sflag:$0x4], $0x80, s31, s16, $0xb8;
	[tilespmem:$0x1D000] =	vst v63  }
0x13c: {  	_ =	swait.ge [sflag:s13], $0x4000  }
0x13d: {  	[sflag:s13] =	ssyncset.done $0x0  }
0x13e: {  	[sflag:s13] =	ssyncadd.s32 $0xFFFFC000  }
0x13f: {  	[tilespmem:s12], [sflag:$0x2] =	stream.indirect.gather [hbm4b:s4+s16], $0x80, s1, s16, $0xb8;
	[tilespmem:$0x1D000] =	vst v63  }
0x140: {  	_ =	swait.ge [sflag:s19], $0x4000  }
0x141: {  	[sflag:s19] =	ssyncset.done $0x0  }
0x142: {  	[sflag:s19] =	ssyncadd.s32 $0xFFFFC000  }
0x143: {  	[spmem:s2] =	stream.indirect.scatter.add.f32 [tilespmem:s17], [sflag:$0x4], $0x80, s0, s16, $0xb8;
	[tilespmem:$0x1D000] =	vst v63  }
0x144: {  	_ =	swait.ge [sflag:s13], $0x4000  }
0x145: {  	[sflag:s13] =	ssyncset.done $0x0  }
0x146: {  	[sflag:s13] =	ssyncadd.s32 $0xFFFFC000  }
0x147: {  	[tilespmem:s17], [sflag:$0x3] =	stream.indirect.gather [hbm4b:s4+s16], $0x80, s6, s16, $0xb8;
	[tilespmem:$0x1D000] =	vst v63  }
0x148: {  	_ =	swait.ge [sflag:s18], $0x4000  }
0x149: {  	[sflag:s18] =	ssyncset.done $0x0  }
0x14a: {  	[sflag:s18] =	ssyncadd.s32 $0xFFFFC000  }
0x14b: {  	[spmem:s2] =	stream.indirect.scatter.add.f32 [tilespmem:s12], [sflag:$0x4], $0x80, s7, s16, $0xb8;
	[tilespmem:$0x1D000] =	vst v63  }
0x14c: {  	_ =	swait.ge [sflag:s13], $0x4000  }
0x14d: {  	[sflag:s13] =	ssyncset.done $0x0  }
0x14e: {  	[sflag:s13] =	ssyncadd.s32 $0xFFFFC000  }
0x14f: {  	p0 =	sne.s32 s11, $0x400;
	_ =	swait.ge [sflag:s19], $0x4000  }
.Ltmp1:
0x150: {  	[sflag:s19] =	ssyncset.done $0x0;
	(pc) =	sbr.rel @p0 .LBB2_4-.Ltmp1, $4  }
0x151: {  	[sflag:s19] =	ssyncadd.s32 $0xFFFFC000  }
0x152: {  	[spmem:s2] =	stream.indirect.scatter.add.f32 [tilespmem:s17], [sflag:$0x4], $0x80, s8, s16, $0xb8;
	[tilespmem:$0x1D000] =	vst v63  }
0x153: {  	_ =	swait.ge [sflag:s13], $0x4000  }
0x154: {  	s11 =	sadd.s32 $0x100, s11;
	s5 =	rddreg [dreg:$0x4];
	[sflag:s13] =	ssyncset.done $0x0  }
0x155: {  	s9 =	rddreg [dreg:$0x3];
	[sflag:s13] =	ssyncadd.s32 $0xFFFFC000;
	s5 =	sadd.s32 s10, s5  }
0x156: {  	[tilespmem:s3], [sflag:$0x1] =	stream.linear.gather [hbm4b:s5+s3], $0x800, $0x38;
	[tilespmem:$0x1D000] =	vst v63  }
0x157: {  	s10 =	sadd.s32 s10, s9  }
0x158: {  	[tilespmem:s14], [sflag:$0x1] =	stream.linear.gather [hbm4b:s10+s3], $0x800, $0x38;
	[tilespmem:$0x1D000] =	vst v63  }
0x159: {  	_ =	swait.ge [sflag:s15], $0x800  }
0x15a: {  	[sflag:s15] =	ssyncset.done $0x0  }
0x15b: {  	[sflag:s15] =	ssyncadd.s32 $0xFFFFF800  }
0x15c: {  	_ =	swait.ge [sflag:s15], $0x800  }
0x15d: {  	[sflag:s15] =	ssyncset.done $0x0  }
0x15e: {  	[sflag:s15] =	ssyncadd.s32 $0xFFFFF800  }
0x15f: {  	[tilespmem:s12], [sflag:$0x2] =	stream.indirect.gather [hbm4b:s4+s16], $0x80, s3, s16, $0xb8;
	[tilespmem:$0x1D000] =	vst v63  }
0x160: {  	_ = 	snop  }
0x161: {  	[tilespmem:s17], [sflag:$0x3] =	stream.indirect.gather [hbm4b:s4+s16], $0x80, s16, s16, $0xb8;
	[tilespmem:$0x1D000] =	vst v63  }
0x162: {  	_ =	swait.ge [sflag:s18], $0x4000  }
0x163: {  	[sflag:s18] =	ssyncset.done $0x0  }
0x164: {  	[sflag:s18] =	ssyncadd.s32 $0xFFFFC000  }
0x165: {  	[spmem:s2] =	stream.indirect.scatter.add.f32 [tilespmem:s12], [sflag:$0x4], $0x80, s14, s16, $0xb8;
	[tilespmem:$0x1D000] =	vst v63  }
0x166: {  	_ =	swait.ge [sflag:s13], $0x4000  }
0x167: {  	[sflag:s13] =	ssyncset.done $0x0  }
0x168: {  	s11 =	rddreg [dreg:$0x5];
	[sflag:s13] =	ssyncadd.s32 $0xFFFFC000  }
0x169: {  	[tilespmem:s12], [sflag:$0x2] =	stream.indirect.gather [hbm4b:s4+s16], $0x80, s11, s16, $0xb8;
	[tilespmem:$0x1D000] =	vst v63  }
0x16a: {  	_ =	swait.ge [sflag:s19], $0x4000  }
0x16b: {  	[sflag:s19] =	ssyncset.done $0x0  }
0x16c: {  	s9 =	rddreg [dreg:$0x6];
	[sflag:s19] =	ssyncadd.s32 $0xFFFFC000  }
0x16d: {  	[spmem:s2] =	stream.indirect.scatter.add.f32 [tilespmem:s17], [sflag:$0x4], $0x80, s9, s16, $0xb8;
	[tilespmem:$0x1D000] =	vst v63  }
0x16e: {  	_ =	swait.ge [sflag:s13], $0x4000  }
0x16f: {  	[sflag:s13] =	ssyncset.done $0x0  }
0x170: {  	s10 =	rddreg [dreg:$0x7];
	[sflag:s13] =	ssyncadd.s32 $0xFFFFC000  }
0x171: {  	[tilespmem:s17], [sflag:$0x3] =	stream.indirect.gather [hbm4b:s4+s16], $0x80, s10, s16, $0xb8;
	[tilespmem:$0x1D000] =	vst v63  }
0x172: {  	_ =	swait.ge [sflag:s18], $0x4000  }
0x173: {  	[sflag:s18] =	ssyncset.done $0x0  }
0x174: {  	s11 =	rddreg [dreg:$0x8];
	[sflag:s18] =	ssyncadd.s32 $0xFFFFC000  }
0x175: {  	[spmem:s2] =	stream.indirect.scatter.add.f32 [tilespmem:s12], [sflag:$0x4], $0x80, s11, s16, $0xb8;
	[tilespmem:$0x1D000] =	vst v63  }
0x176: {  	_ =	swait.ge [sflag:s13], $0x4000  }
0x177: {  	[sflag:s13] =	ssyncset.done $0x0  }
0x178: {  	s9 =	rddreg [dreg:$0x9];
	[sflag:s13] =	ssyncadd.s32 $0xFFFFC000  }
0x179: {  	[tilespmem:s12], [sflag:$0x2] =	stream.indirect.gather [hbm4b:s4+s16], $0x80, s9, s16, $0xb8;
	[tilespmem:$0x1D000] =	vst v63  }
0x17a: {  	_ =	swait.ge [sflag:s19], $0x4000  }
0x17b: {  	[sflag:s19] =	ssyncset.done $0x0  }
0x17c: {  	s10 =	rddreg [dreg:$0xa];
	[sflag:s19] =	ssyncadd.s32 $0xFFFFC000  }
0x17d: {  	[spmem:s2] =	stream.indirect.scatter.add.f32 [tilespmem:s17], [sflag:$0x4], $0x80, s10, s16, $0xb8;
	[tilespmem:$0x1D000] =	vst v63  }
0x17e: {  	_ =	swait.ge [sflag:s13], $0x4000  }
0x17f: {  	[sflag:s13] =	ssyncset.done $0x0  }
0x180: {  	s11 =	rddreg [dreg:$0xb];
	[sflag:s13] =	ssyncadd.s32 $0xFFFFC000  }
0x181: {  	[tilespmem:s17], [sflag:$0x3] =	stream.indirect.gather [hbm4b:s4+s16], $0x80, s11, s16, $0xb8;
	[tilespmem:$0x1D000] =	vst v63  }
0x182: {  	_ =	swait.ge [sflag:s18], $0x4000  }
0x183: {  	[sflag:s18] =	ssyncset.done $0x0  }
0x184: {  	s9 =	rddreg [dreg:$0xc];
	[sflag:s18] =	ssyncadd.s32 $0xFFFFC000  }
0x185: {  	[spmem:s2] =	stream.indirect.scatter.add.f32 [tilespmem:s12], [sflag:$0x4], $0x80, s9, s16, $0xb8;
	[tilespmem:$0x1D000] =	vst v63  }
0x186: {  	_ =	swait.ge [sflag:s13], $0x4000  }
0x187: {  	[sflag:s13] =	ssyncset.done $0x0  }
0x188: {  	s10 =	rddreg [dreg:$0xd];
	[sflag:s13] =	ssyncadd.s32 $0xFFFFC000  }
0x189: {  	[tilespmem:s12], [sflag:$0x2] =	stream.indirect.gather [hbm4b:s4+s16], $0x80, s10, s16, $0xb8;
	[tilespmem:$0x1D000] =	vst v63  }
0x18a: {  	_ =	swait.ge [sflag:s19], $0x4000  }
0x18b: {  	[sflag:s19] =	ssyncset.done $0x0  }
0x18c: {  	s11 =	rddreg [dreg:$0xe];
	[sflag:s19] =	ssyncadd.s32 $0xFFFFC000  }
0x18d: {  	[spmem:s2] =	stream.indirect.scatter.add.f32 [tilespmem:s17], [sflag:$0x4], $0x80, s11, s16, $0xb8;
	[tilespmem:$0x1D000] =	vst v63  }
0x18e: {  	_ =	swait.ge [sflag:s13], $0x4000  }
0x18f: {  	[sflag:s13] =	ssyncset.done $0x0  }
0x190: {  	s9 =	rddreg [dreg:$0xf];
	[sflag:s13] =	ssyncadd.s32 $0xFFFFC000  }
0x191: {  	[tilespmem:s17], [sflag:$0x3] =	stream.indirect.gather [hbm4b:s4+s16], $0x80, s9, s16, $0xb8;
	[tilespmem:$0x1D000] =	vst v63  }
0x192: {  	_ =	swait.ge [sflag:s18], $0x4000  }
0x193: {  	[sflag:s18] =	ssyncset.done $0x0  }
0x194: {  	s10 =	rddreg [dreg:$0x10];
	[sflag:s18] =	ssyncadd.s32 $0xFFFFC000  }
0x195: {  	[spmem:s2] =	stream.indirect.scatter.add.f32 [tilespmem:s12], [sflag:$0x4], $0x80, s10, s16, $0xb8;
	[tilespmem:$0x1D000] =	vst v63  }
0x196: {  	_ =	swait.ge [sflag:s13], $0x4000  }
0x197: {  	[sflag:s13] =	ssyncset.done $0x0  }
0x198: {  	s11 =	rddreg [dreg:$0x11];
	[sflag:s13] =	ssyncadd.s32 $0xFFFFC000  }
0x199: {  	[tilespmem:s12], [sflag:$0x2] =	stream.indirect.gather [hbm4b:s4+s16], $0x80, s11, s16, $0xb8;
	[tilespmem:$0x1D000] =	vst v63  }
0x19a: {  	_ =	swait.ge [sflag:s19], $0x4000  }
0x19b: {  	[sflag:s19] =	ssyncset.done $0x0  }
0x19c: {  	[sflag:s19] =	ssyncadd.s32 $0xFFFFC000  }
0x19d: {  	[spmem:s2] =	stream.indirect.scatter.add.f32 [tilespmem:s17], [sflag:$0x4], $0x80, s20, s16, $0xb8;
	[tilespmem:$0x1D000] =	vst v63  }
0x19e: {  	_ =	swait.ge [sflag:s13], $0x4000  }
0x19f: {  	[sflag:s13] =	ssyncset.done $0x0  }
0x1a0: {  	[sflag:s13] =	ssyncadd.s32 $0xFFFFC000  }
0x1a1: {  	[tilespmem:s17], [sflag:$0x3] =	stream.indirect.gather [hbm4b:s4+s16], $0x80, s21, s16, $0xb8;
	[tilespmem:$0x1D000] =	vst v63  }
0x1a2: {  	_ =	swait.ge [sflag:s18], $0x4000  }
0x1a3: {  	[sflag:s18] =	ssyncset.done $0x0  }
0x1a4: {  	[sflag:s18] =	ssyncadd.s32 $0xFFFFC000  }
0x1a5: {  	[spmem:s2] =	stream.indirect.scatter.add.f32 [tilespmem:s12], [sflag:$0x4], $0x80, s22, s16, $0xb8;
	[tilespmem:$0x1D000] =	vst v63  }
0x1a6: {  	_ =	swait.ge [sflag:s13], $0x4000  }
0x1a7: {  	[sflag:s13] =	ssyncset.done $0x0  }
0x1a8: {  	[sflag:s13] =	ssyncadd.s32 $0xFFFFC000  }
0x1a9: {  	[tilespmem:s12], [sflag:$0x2] =	stream.indirect.gather [hbm4b:s4+s16], $0x80, s23, s16, $0xb8;
	[tilespmem:$0x1D000] =	vst v63  }
0x1aa: {  	_ =	swait.ge [sflag:s19], $0x4000  }
0x1ab: {  	[sflag:s19] =	ssyncset.done $0x0  }
0x1ac: {  	[sflag:s19] =	ssyncadd.s32 $0xFFFFC000  }
0x1ad: {  	[spmem:s2] =	stream.indirect.scatter.add.f32 [tilespmem:s17], [sflag:$0x4], $0x80, s24, s16, $0xb8;
	[tilespmem:$0x1D000] =	vst v63  }
0x1ae: {  	_ =	swait.ge [sflag:s13], $0x4000  }
0x1af: {  	[sflag:s13] =	ssyncset.done $0x0  }
0x1b0: {  	[sflag:s13] =	ssyncadd.s32 $0xFFFFC000  }
0x1b1: {  	[tilespmem:s17], [sflag:$0x3] =	stream.indirect.gather [hbm4b:s4+s16], $0x80, s25, s16, $0xb8;
	[tilespmem:$0x1D000] =	vst v63  }
0x1b2: {  	_ =	swait.ge [sflag:s18], $0x4000  }
0x1b3: {  	[sflag:s18] =	ssyncset.done $0x0  }
0x1b4: {  	[sflag:s18] =	ssyncadd.s32 $0xFFFFC000  }
0x1b5: {  	[spmem:s2] =	stream.indirect.scatter.add.f32 [tilespmem:s12], [sflag:$0x4], $0x80, s26, s16, $0xb8;
	[tilespmem:$0x1D000] =	vst v63  }
0x1b6: {  	_ =	swait.ge [sflag:s13], $0x4000  }
0x1b7: {  	[sflag:s13] =	ssyncset.done $0x0  }
0x1b8: {  	[sflag:s13] =	ssyncadd.s32 $0xFFFFC000  }
0x1b9: {  	[tilespmem:s12], [sflag:$0x2] =	stream.indirect.gather [hbm4b:s4+s16], $0x80, s28, s16, $0xb8;
	[tilespmem:$0x1D000] =	vst v63  }
0x1ba: {  	_ =	swait.ge [sflag:s19], $0x4000  }
0x1bb: {  	[sflag:s19] =	ssyncset.done $0x0  }
0x1bc: {  	[sflag:s19] =	ssyncadd.s32 $0xFFFFC000  }
0x1bd: {  	[spmem:s2] =	stream.indirect.scatter.add.f32 [tilespmem:s17], [sflag:$0x4], $0x80, s29, s16, $0xb8;
	[tilespmem:$0x1D000] =	vst v63  }
0x1be: {  	_ =	swait.ge [sflag:s13], $0x4000  }
0x1bf: {  	[sflag:s13] =	ssyncset.done $0x0  }
0x1c0: {  	[sflag:s13] =	ssyncadd.s32 $0xFFFFC000  }
0x1c1: {  	[tilespmem:s17], [sflag:$0x3] =	stream.indirect.gather [hbm4b:s4+s16], $0x80, s30, s16, $0xb8;
	[tilespmem:$0x1D000] =	vst v63  }
0x1c2: {  	_ =	swait.ge [sflag:s18], $0x4000  }
0x1c3: {  	[sflag:s18] =	ssyncset.done $0x0  }
0x1c4: {  	[sflag:s18] =	ssyncadd.s32 $0xFFFFC000  }
0x1c5: {  	[spmem:s2] =	stream.indirect.scatter.add.f32 [tilespmem:s12], [sflag:$0x4], $0x80, s31, s16, $0xb8;
	[tilespmem:$0x1D000] =	vst v63  }
0x1c6: {  	_ =	swait.ge [sflag:s13], $0x4000  }
0x1c7: {  	[sflag:s13] =	ssyncset.done $0x0  }
0x1c8: {  	[sflag:s13] =	ssyncadd.s32 $0xFFFFC000  }
0x1c9: {  	[tilespmem:s12], [sflag:$0x2] =	stream.indirect.gather [hbm4b:s4+s16], $0x80, s1, s16, $0xb8;
	[tilespmem:$0x1D000] =	vst v63  }
0x1ca: {  	_ =	swait.ge [sflag:s19], $0x4000  }
0x1cb: {  	[sflag:s19] =	ssyncset.done $0x0  }
0x1cc: {  	[sflag:s19] =	ssyncadd.s32 $0xFFFFC000  }
0x1cd: {  	[spmem:s2] =	stream.indirect.scatter.add.f32 [tilespmem:s17], [sflag:$0x4], $0x80, s0, s16, $0xb8;
	[tilespmem:$0x1D000] =	vst v63  }
0x1ce: {  	_ =	swait.ge [sflag:s13], $0x4000  }
0x1cf: {  	[sflag:s13] =	ssyncset.done $0x0  }
0x1d0: {  	[sflag:s13] =	ssyncadd.s32 $0xFFFFC000  }
0x1d1: {  	[tilespmem:s17], [sflag:$0x3] =	stream.indirect.gather [hbm4b:s4+s16], $0x80, s6, s16, $0xb8;
	[tilespmem:$0x1D000] =	vst v63  }
0x1d2: {  	_ =	swait.ge [sflag:s18], $0x4000  }
0x1d3: {  	[sflag:s18] =	ssyncset.done $0x0  }
0x1d4: {  	[sflag:s18] =	ssyncadd.s32 $0xFFFFC000  }
0x1d5: {  	[spmem:s2] =	stream.indirect.scatter.add.f32 [tilespmem:s12], [sflag:$0x4], $0x80, s7, s16, $0xb8;
	[tilespmem:$0x1D000] =	vst v63  }
0x1d6: {  	_ =	swait.ge [sflag:s13], $0x4000  }
0x1d7: {  	[sflag:s13] =	ssyncset.done $0x0  }
0x1d8: {  	[sflag:s13] =	ssyncadd.s32 $0xFFFFC000  }
0x1d9: {  	_ =	swait.ge [sflag:s19], $0x4000  }
0x1da: {  	[sflag:s19] =	ssyncset.done $0x0  }
0x1db: {  	[sflag:s19] =	ssyncadd.s32 $0xFFFFC000  }
0x1dc: {  	[spmem:s2] =	stream.indirect.scatter.add.f32 [tilespmem:s17], [sflag:$0x4], $0x80, s8, s16, $0xb8;
	[tilespmem:$0x1D000] =	vst v63  }
0x1dd: {  	_ =	swait.ge [sflag:s13], $0x4000  }
0x1de: {  	[sflag:s13] =	ssyncset.done $0x0  }
0x1df: {  	[sflag:s13] =	ssyncadd.s32 $0xFFFFC000  }
0x1e0: {  	s9 =	stileid.u32;
	[bflag:$0x0] =	sbarrier.arrive $0xFFFF  }
0x1e1: {  	s5 =	sshll.u32 s9, $0x6;
	s20 =	rddreg [dreg:$0x12]  }
0x1e2: {  	s5 =	sor.u32 $0x1C04, s5;
	s11 =	rddreg [dreg:$0x13];
	s10 =	sshrl.u32 s20, $0x3  }
0x1e3: {  	[hbm:s11], [sflag:s5] =	dma.local [spmem:s10], $0x2800  }
0x1e4: {  	_ =	swait.ge [sflag:s13], $0x2800  }
0x1e5: {  	s10 =	rddreg [dreg:$0x19]  }
0x1e6: {  	s11 =	rddreg [dreg:$0x14];
	s9 =	sadd.s32 $0x1, s10  }
0x1e7: {  	p0 =	sne.s32 s9, s11  }
.Ltmp2:
0x1e8: {  	_ = 	snop;
	(pc) =	sbr.rel @p0 .LBB2_1-.Ltmp2, $3  }
0x1e9: {  	_ =	sdelay $0x1  }
0x1ea: {  	[sflag:s13] =	ssyncset.done $0x0  }
0x1eb: {  	[sflag:s13] =	ssyncadd.s32 $0xFFFFD800  }
0x1ec: {  	_ =	sfence.sel $0x180000  }
0x1ed: {  	[bflag:$0x0] =	sbarrier.arrive $0xFFFF  }
0x1ee: {  	_ =	strace $0x9000004A  }
0x1ef: {  	s0 =	stileid.u32;
	[bflag:$0x2] =	sbarrier.arrive $0xFFFF  }
0x1f0: {  	p0 =	sne.s32 s0, $0x0;
	s0 =	rddreg [dreg:$0x2]  }
0x1f1: {  	s0 =	sadd.s32 @!p0 $0x100000, s0  }
0x1f2: {  	[sflag:s0] =	ssyncadd.tile.s32 @!p0 $0x1;
	_ =	shalt  }
.Lfunc_end2:
_tile_overlayer_lowered:
.L_overlay_start_2:
0x1f3: {  	(tag) =	ssettag $0x2  }
0x1f4: {  	s0 =	rddreg [dreg:$0x0];
	s2 =	stileid.u32  }
0x1f5: {  	s1 =	rddreg [dreg:$0x1];
	p0 =	sne.s32 s2, $0x0  }
0x1f6: {  	s3 =	rddreg [dreg:$0x2];
	[bflag:$0x3] =	sbarrier.arrive $0xFFFF;
	s2 =	simm.s32 @!p0 $0x1C04  }
0x1f7: {  	[timem:s3], [sflag:s2] =	dma.local @!p0 [hbm:s0], s1  }
0x1f8: {  	s0 =	simm.s32 @!p0 $0x4  }
0x1f9: {  	_ =	swait.ge @!p0 [sflag:s0], s1  }
0x1fa: {  	s1 =	ssub.s32 @!p0 $0x0, s1;
	[sflag:s0] =	ssyncset.done @!p0 $0x0  }
0x1fb: {  	[sflag:s0] =	ssyncadd.s32 @!p0 s1  }
0x1fc: {  	[bflag:$0x3] =	sbarrier.arrive $0xFFFF  }
0x1fd: {  	_ =	shalt  }

</sc_bundles>
